<compile_context>
chip_gen: v7x
topology: tpu7x:2x2x1
jax: 0.10.2.dev20260603
libtpu: 0.0.44.dev20260713+nightly
codegen_flags: <defaults>
</compile_context>

<pallas_src>
import functools

import jax
import jax.numpy as jnp
from jax import lax
from jax.experimental import pallas as pl
from jax.experimental.pallas import tpu as pltpu
from jax.experimental.pallas import tpu_sc as plsc

N = 4096
L = 64
WD = 128
HD = 256
NW = 32
TPW = N // NW
LANES = 16
G = L // LANES


def _rsqrt(x):
    i = lax.bitcast_convert_type(x, jnp.int32)
    i = jnp.int32(0x5F3759DF) - (i >> 1)
    y = lax.bitcast_convert_type(i, jnp.float32)
    for _ in range(3):
        y = y * (1.5 - 0.5 * x * y * y)
    return y


def _splat_i32(v):
    return jnp.full((LANES,), v, jnp.int32)


_MESH = plsc.VectorSubcoreMesh(core_axis_name="c", subcore_axis_name="s")


@functools.partial(
    pl.kernel,
    mesh=_MESH,
    compiler_params=pltpu.CompilerParams(use_tc_tiling_on_sc=False,
                                          needs_layout_passes=False),
    out_type=jax.ShapeDtypeStruct((N, HD), jnp.float32),
    scratch_types=[
        pltpu.VMEM((TPW, WD), jnp.float32),
        pltpu.VMEM((TPW, L), jnp.int32),
        pltpu.VMEM((TPW, L), jnp.float32),
        pltpu.VMEM((L, WD), jnp.float32),
        pltpu.VMEM((L, HD), jnp.float32),
        pltpu.VMEM((L,), jnp.float32),
        pltpu.VMEM((TPW, HD), jnp.float32),
        pltpu.SemaphoreType.DMA,
        pltpu.SemaphoreType.DMA,
    ],
)
def _mb_kernel(q_hbm, idx_hbm, mask_hbm, wmem_hbm, bmem_hbm, out_hbm,
               q_v, idx_v, mask_v, wm_v, bm_v, att_v, out_v, sem0, sem1):
    wid = lax.axis_index("s") * 2 + lax.axis_index("c")
    base = wid * TPW
    pltpu.sync_copy(q_hbm.at[pl.ds(base, TPW)], q_v)
    pltpu.sync_copy(idx_hbm.at[pl.ds(base, TPW)], idx_v)
    pltpu.sync_copy(mask_hbm.at[pl.ds(base, TPW)], mask_v)

    lane = lax.iota(jnp.int32, LANES)

    def token_body(t, carry):
        idx_row = idx_v.at[t]
        cp0 = pltpu.async_copy(wmem_hbm.at[idx_row], wm_v, sem0)
        cp1 = pltpu.async_copy(bmem_hbm.at[idx_row], bm_v, sem1)
        cp0.wait()
        cp1.wait()

        def d_body(d, accs):
            qd = plsc.load_gather(q_v, [_splat_i32(t), _splat_i32(d)])
            dsp = _splat_i32(d)
            out = []
            for g in range(G):
                acc, nacc = accs[2 * g], accs[2 * g + 1]
                vals = plsc.load_gather(wm_v, [lane + (g * LANES), dsp])
                out.append(acc + vals * qd)
                out.append(nacc + vals * vals)
            return tuple(out)

        zero = jnp.zeros((LANES,), jnp.float32)
        accs = lax.fori_loop(0, WD, d_body, (zero,) * (2 * G))

        qn = zero
        for j in range(WD // LANES):
            v = q_v[t, pl.ds(j * LANES, LANES)]
            qn = qn + v * v
        qr = _rsqrt(jnp.maximum(jnp.full((LANES,), jnp.sum(qn)), 1e-24))

        es = []
        for g in range(G):
            acc, nacc = accs[2 * g], accs[2 * g + 1]
            s = acc * _rsqrt(jnp.maximum(nacc, 1e-24)) * qr
            es.append(jnp.exp(s) * mask_v[t, pl.ds(g * LANES, LANES)])
        den = jnp.full((LANES,), jnp.sum(es[0] + es[1] + es[2] + es[3]))
        for g in range(G):
            att_v[pl.ds(g * LANES, LANES)] = es[g] / den

        def l_body(l, outs):
            w = plsc.load_gather(att_v, [_splat_i32(l)])
            return tuple(outs[j] + w * bm_v[l, pl.ds(j * LANES, LANES)]
                         for j in range(HD // LANES))

        outs = lax.fori_loop(0, L, l_body, (zero,) * (HD // LANES))
        for j in range(HD // LANES):
            out_v[t, pl.ds(j * LANES, LANES)] = outs[j]
        return carry

    lax.fori_loop(0, TPW, token_body, 0)
    pltpu.sync_copy(out_v, out_hbm.at[pl.ds(base, TPW)])


def kernel(word_embs, cooc_idx, mask, wordmem, bankmem):
    return _mb_kernel(word_embs, cooc_idx.astype(jnp.int32), mask,
                      wordmem, bankmem)

# --- scband reference (transcript-rebuilt; emitter-appended) ---
"""Pipeline reference for scband-memory-bank-2628519985195 (READ-ONLY COPY).

The authoritative reference and input builder live on the scoring server;
editing this copy changes nothing except your own understanding.
"""

import jax, jax.numpy as jnp
import numpy as np

TOTAL_NUM = 100000
N = 4096
L = 64
WORD_DIM = 128
HIDDEN_DIM = 256


def setup_inputs(seed: int = 0) -> dict:
    key = jax.random.key(seed)
    k1, k2, k3, k4, k5 = jax.random.split(key, 5)
    word_embs = jax.random.normal(k1, (N, WORD_DIM), dtype=jnp.float32)
    # co-occurrence instance ids per token (stand-in for the python word_mat lookup)
    cooc_idx = jax.random.randint(k2, (N, L), 0, TOTAL_NUM)
    # valid-length mask, mimicking the padded variable-length lists
    lengths = jax.random.randint(k3, (N,), 1, L + 1)
    mask = (jnp.arange(L)[None, :] < lengths[:, None]).astype(jnp.float32)
    # memory bank parameters, init uniform(-1,1) with row 0 zeroed (padding row)
    wordmem = jax.random.uniform(k4, (TOTAL_NUM, WORD_DIM), minval=-1.0, maxval=1.0, dtype=jnp.float32)
    wordmem = wordmem.at[0].set(0.0)
    bankmem = jax.random.uniform(k5, (TOTAL_NUM, HIDDEN_DIM), minval=-1.0, maxval=1.0, dtype=jnp.float32)
    bankmem = bankmem.at[0].set(0.0)
    return {"word_embs": word_embs, "cooc_idx": cooc_idx, "mask": mask, "wordmem": wordmem, "bankmem": bankmem}


def _l2_normalize(x, eps=1e-12):
    n = jnp.linalg.norm(x, axis=-1, keepdims=True)
    return x / jnp.clip(n, eps, None)


def _partial_softmax(inputs, mask, dim):
    exp_inp = jnp.exp(inputs)
    exp_inp_weighted = exp_inp * mask
    exp_inp_sum = jnp.sum(exp_inp_weighted, axis=dim, keepdims=True)
    return exp_inp_weighted / exp_inp_sum


def reference(word_embs, cooc_idx, mask, wordmem, bankmem):
    num = word_embs.shape[0]
    # gather stored word embeddings and hidden states for co-occurring instances
    wm = jnp.take(wordmem, cooc_idx, axis=0)  # [N, L, word_dim]
    bm = jnp.take(bankmem, cooc_idx, axis=0)  # [N, L, hidden_dim]
    # cosine-similarity attention scores (bmm of normalized vectors)
    q = _l2_normalize(word_embs)              # [N, word_dim]
    k = _l2_normalize(wm)                     # [N, L, word_dim]
    score = jnp.einsum('nd,nld->nl', q, k)    # [N, L]
    att = _partial_softmax(score, mask, 1)    # masked softmax
    # attention-weighted sum of stored hidden states
    doc_hidden = jnp.einsum('nl,nld->nd', att, bm)  # [N, hidden_dim]
    return doc_hidden

if __name__ == "__main__":
    import jax
    _d = setup_inputs()
    print(jax.jit(kernel)(*tuple(_d.values())))

</pallas_src>

<mosaic_0001>
#map = affine_map<(d0, d1) -> (0, 0)>
module attributes {stable_mosaic.version = 14 : i64} {
  func.func @_mb_kernel(%arg0: i32, %arg1: i32, %arg2: memref<4096x128xf32, #tpu.memory_space<hbm>>, %arg3: memref<4096x64xi32, #tpu.memory_space<hbm>>, %arg4: memref<4096x64xf32, #tpu.memory_space<hbm>>, %arg5: memref<100000x128xf32, #tpu.memory_space<hbm>>, %arg6: memref<100000x256xf32, #tpu.memory_space<hbm>>, %arg7: memref<4096x256xf32, #tpu.memory_space<hbm>>, %arg8: memref<128x128xf32, #tpu.memory_space<vmem>>, %arg9: memref<128x64xi32, #tpu.memory_space<vmem>>, %arg10: memref<128x64xf32, #tpu.memory_space<vmem>>, %arg11: memref<64x128xf32, #tpu.memory_space<vmem>>, %arg12: memref<64x256xf32, #tpu.memory_space<vmem>>, %arg13: memref<64xf32, #tpu.memory_space<vmem>>, %arg14: memref<128x256xf32, #tpu.memory_space<vmem>>, %arg15: memref<!tpu.dma_semaphore, #tpu.memory_space<semaphore_mem>>, %arg16: memref<!tpu.dma_semaphore, #tpu.memory_space<semaphore_mem>>) attributes {dimension_semantics = [#tpu.dimension_semantics<core_parallel>, #tpu.dimension_semantics<subcore_parallel>], iteration_bounds = array<i64: 2, 16>, scalar_prefetch = 0 : i64, scratch_operands = 9 : i64, tpu.core_type = #tpu.core_type<sc_vector_subcore>, window_params = [{transform_indices = #map}, {transform_indices = #map}, {transform_indices = #map}, {transform_indices = #map}, {transform_indices = #map}, {transform_indices = #map}]} {
    %mul3A = arith.constant 2 : i32
    %mul3A_0 = arith.muli %arg1, %mul3A : i32
    %add3A = arith.addi %mul3A_0, %arg0 : i32
    %mul3A_1 = arith.constant 128 : i32
    %mul3A_2 = arith.muli %add3A, %mul3A_1 : i32
    "tpu.region"() ({
      %run_scoped3A = tpu.sem_alloc : memref<!tpu.dma_semaphore, #tpu.memory_space<semaphore_mem>>
      %dma_start3A = arith.constant 0 : i32
      %dma_start3A_8 = tpu.memref_slice %arg2[%mul3A_2, %dma_start3A] : memref<4096x128xf32, #tpu.memory_space<hbm>> -> memref<128x128xf32, #tpu.memory_space<hbm>>
      %dma_start3A_9 = arith.constant 0 : i32
      %dma_start3A_10 = tpu.memref_slice %arg2[%mul3A_2, %dma_start3A_9] : memref<4096x128xf32, #tpu.memory_space<hbm>> -> memref<128x128xf32, #tpu.memory_space<hbm>>
      tpu.enqueue_dma source(%dma_start3A_10 : memref<128x128xf32, #tpu.memory_space<hbm>>) target(%arg8 : memref<128x128xf32, #tpu.memory_space<vmem>>) target_semaphore(%run_scoped3A : memref<!tpu.dma_semaphore, #tpu.memory_space<semaphore_mem>>)
      %dma_wait3A = arith.constant 0 : i32
      %dma_wait3A_11 = tpu.memref_slice %arg2[%mul3A_2, %dma_wait3A] : memref<4096x128xf32, #tpu.memory_space<hbm>> -> memref<128x128xf32, #tpu.memory_space<hbm>>
      %dma_wait3A_12 = arith.constant 0 : i32
      %dma_wait3A_13 = tpu.memref_slice %arg2[%mul3A_2, %dma_wait3A_12] : memref<4096x128xf32, #tpu.memory_space<hbm>> -> memref<128x128xf32, #tpu.memory_space<hbm>>
      tpu.wait_dma2 semaphore(%run_scoped3A : memref<!tpu.dma_semaphore, #tpu.memory_space<semaphore_mem>>) src(%dma_wait3A_13 : memref<128x128xf32, #tpu.memory_space<hbm>>) dst(%arg8 : memref<128x128xf32, #tpu.memory_space<vmem>>)
      tpu.yield
    }) : () -> ()
    "tpu.region"() ({
      %run_scoped3A = tpu.sem_alloc : memref<!tpu.dma_semaphore, #tpu.memory_space<semaphore_mem>>
      %dma_start3A = arith.constant 0 : i32
      %dma_start3A_8 = tpu.memref_slice %arg3[%mul3A_2, %dma_start3A] : memref<4096x64xi32, #tpu.memory_space<hbm>> -> memref<128x64xi32, #tpu.memory_space<hbm>>
      %dma_start3A_9 = arith.constant 0 : i32
      %dma_start3A_10 = tpu.memref_slice %arg3[%mul3A_2, %dma_start3A_9] : memref<4096x64xi32, #tpu.memory_space<hbm>> -> memref<128x64xi32, #tpu.memory_space<hbm>>
      tpu.enqueue_dma source(%dma_start3A_10 : memref<128x64xi32, #tpu.memory_space<hbm>>) target(%arg9 : memref<128x64xi32, #tpu.memory_space<vmem>>) target_semaphore(%run_scoped3A : memref<!tpu.dma_semaphore, #tpu.memory_space<semaphore_mem>>)
      %dma_wait3A = arith.constant 0 : i32
      %dma_wait3A_11 = tpu.memref_slice %arg3[%mul3A_2, %dma_wait3A] : memref<4096x64xi32, #tpu.memory_space<hbm>> -> memref<128x64xi32, #tpu.memory_space<hbm>>
      %dma_wait3A_12 = arith.constant 0 : i32
      %dma_wait3A_13 = tpu.memref_slice %arg3[%mul3A_2, %dma_wait3A_12] : memref<4096x64xi32, #tpu.memory_space<hbm>> -> memref<128x64xi32, #tpu.memory_space<hbm>>
      tpu.wait_dma2 semaphore(%run_scoped3A : memref<!tpu.dma_semaphore, #tpu.memory_space<semaphore_mem>>) src(%dma_wait3A_13 : memref<128x64xi32, #tpu.memory_space<hbm>>) dst(%arg9 : memref<128x64xi32, #tpu.memory_space<vmem>>)
      tpu.yield
    }) : () -> ()
    "tpu.region"() ({
      %run_scoped3A = tpu.sem_alloc : memref<!tpu.dma_semaphore, #tpu.memory_space<semaphore_mem>>
      %dma_start3A = arith.constant 0 : i32
      %dma_start3A_8 = tpu.memref_slice %arg4[%mul3A_2, %dma_start3A] : memref<4096x64xf32, #tpu.memory_space<hbm>> -> memref<128x64xf32, #tpu.memory_space<hbm>>
      %dma_start3A_9 = arith.constant 0 : i32
      %dma_start3A_10 = tpu.memref_slice %arg4[%mul3A_2, %dma_start3A_9] : memref<4096x64xf32, #tpu.memory_space<hbm>> -> memref<128x64xf32, #tpu.memory_space<hbm>>
      tpu.enqueue_dma source(%dma_start3A_10 : memref<128x64xf32, #tpu.memory_space<hbm>>) target(%arg10 : memref<128x64xf32, #tpu.memory_space<vmem>>) target_semaphore(%run_scoped3A : memref<!tpu.dma_semaphore, #tpu.memory_space<semaphore_mem>>)
      %dma_wait3A = arith.constant 0 : i32
      %dma_wait3A_11 = tpu.memref_slice %arg4[%mul3A_2, %dma_wait3A] : memref<4096x64xf32, #tpu.memory_space<hbm>> -> memref<128x64xf32, #tpu.memory_space<hbm>>
      %dma_wait3A_12 = arith.constant 0 : i32
      %dma_wait3A_13 = tpu.memref_slice %arg4[%mul3A_2, %dma_wait3A_12] : memref<4096x64xf32, #tpu.memory_space<hbm>> -> memref<128x64xf32, #tpu.memory_space<hbm>>
      tpu.wait_dma2 semaphore(%run_scoped3A : memref<!tpu.dma_semaphore, #tpu.memory_space<semaphore_mem>>) src(%dma_wait3A_13 : memref<128x64xf32, #tpu.memory_space<hbm>>) dst(%arg10 : memref<128x64xf32, #tpu.memory_space<vmem>>)
      tpu.yield
    }) : () -> ()
    %iota3A = tpu.iota {dimensions = array<i32: 0>} : vector<16xi32>
    %scan3A = arith.constant 0 : i32
    %scan3A_3 = arith.constant 0 : i32
    %scan3A_4 = arith.constant 128 : i32
    %scan3A_5 = arith.addi %scan3A_3, %scan3A_4 : i32
    %scan3A_6 = arith.constant 1 : i32
    scf.for %scan3A_8 = %scan3A_3 to %scan3A_5 step %scan3A_6  : i32 {
      %dma_start3A = arith.constant 0 : i32
      %dma_start3A_9 = tpu.memref_slice %arg9[%scan3A_8, %dma_start3A] : memref<128x64xi32, #tpu.memory_space<vmem>> -> memref<1x64xi32, #tpu.memory_space<vmem>>
      %dma_start3A_10 = tpu.memref_squeeze %dma_start3A_9 : memref<1x64xi32, #tpu.memory_space<vmem>> -> memref<64xi32, #tpu.memory_space<vmem>>
      %dma_start3A_11 = arith.constant 0 : i32
      %dma_start3A_12 = arith.constant 0 : i32
      %dma_start3A_13 = tpu.memref_slice %arg5[%dma_start3A_11, %dma_start3A_12] : memref<100000x128xf32, #tpu.memory_space<hbm>> -> memref<100000x128xf32, #tpu.memory_space<hbm>>
      tpu.enqueue_indirect_dma source(%dma_start3A_13 : memref<100000x128xf32, #tpu.memory_space<hbm>>) target(%arg11 : memref<64x128xf32, #tpu.memory_space<vmem>>) offsets(%dma_start3A_10 : memref<64xi32, #tpu.memory_space<vmem>>) semaphore(%arg15 : memref<!tpu.dma_semaphore, #tpu.memory_space<semaphore_mem>>)
      %dma_start3A_14 = arith.constant 0 : i32
      %dma_start3A_15 = tpu.memref_slice %arg9[%scan3A_8, %dma_start3A_14] : memref<128x64xi32, #tpu.memory_space<vmem>> -> memref<1x64xi32, #tpu.memory_space<vmem>>
      %dma_start3A_16 = tpu.memref_squeeze %dma_start3A_15 : memref<1x64xi32, #tpu.memory_space<vmem>> -> memref<64xi32, #tpu.memory_space<vmem>>
      %dma_start3A_17 = arith.constant 0 : i32
      %dma_start3A_18 = arith.constant 0 : i32
      %dma_start3A_19 = tpu.memref_slice %arg6[%dma_start3A_17, %dma_start3A_18] : memref<100000x256xf32, #tpu.memory_space<hbm>> -> memref<100000x256xf32, #tpu.memory_space<hbm>>
      tpu.enqueue_indirect_dma source(%dma_start3A_19 : memref<100000x256xf32, #tpu.memory_space<hbm>>) target(%arg12 : memref<64x256xf32, #tpu.memory_space<vmem>>) offsets(%dma_start3A_16 : memref<64xi32, #tpu.memory_space<vmem>>) semaphore(%arg16 : memref<!tpu.dma_semaphore, #tpu.memory_space<semaphore_mem>>)
      %dma_wait3A = arith.constant 0 : i32
      %dma_wait3A_20 = tpu.memref_slice %arg9[%scan3A_8, %dma_wait3A] : memref<128x64xi32, #tpu.memory_space<vmem>> -> memref<1x64xi32, #tpu.memory_space<vmem>>
      %dma_wait3A_21 = tpu.memref_squeeze %dma_wait3A_20 : memref<1x64xi32, #tpu.memory_space<vmem>> -> memref<64xi32, #tpu.memory_space<vmem>>
      %dma_wait3A_22 = arith.constant 0 : i32
      %dma_wait3A_23 = arith.constant 0 : i32
      %dma_wait3A_24 = tpu.memref_slice %arg5[%dma_wait3A_22, %dma_wait3A_23] : memref<100000x128xf32, #tpu.memory_space<hbm>> -> memref<100000x128xf32, #tpu.memory_space<hbm>>
      tpu.wait_indirect_dma semaphore(%arg15 : memref<!tpu.dma_semaphore, #tpu.memory_space<semaphore_mem>>) src(%dma_wait3A_24 : memref<100000x128xf32, #tpu.memory_space<hbm>>) dst(%arg11 : memref<64x128xf32, #tpu.memory_space<vmem>>)
      %dma_wait3A_25 = arith.constant 0 : i32
      %dma_wait3A_26 = tpu.memref_slice %arg9[%scan3A_8, %dma_wait3A_25] : memref<128x64xi32, #tpu.memory_space<vmem>> -> memref<1x64xi32, #tpu.memory_space<vmem>>
      %dma_wait3A_27 = tpu.memref_squeeze %dma_wait3A_26 : memref<1x64xi32, #tpu.memory_space<vmem>> -> memref<64xi32, #tpu.memory_space<vmem>>
      %dma_wait3A_28 = arith.constant 0 : i32
      %dma_wait3A_29 = arith.constant 0 : i32
      %dma_wait3A_30 = tpu.memref_slice %arg6[%dma_wait3A_28, %dma_wait3A_29] : memref<100000x256xf32, #tpu.memory_space<hbm>> -> memref<100000x256xf32, #tpu.memory_space<hbm>>
      tpu.wait_indirect_dma semaphore(%arg16 : memref<!tpu.dma_semaphore, #tpu.memory_space<semaphore_mem>>) src(%dma_wait3A_30 : memref<100000x256xf32, #tpu.memory_space<hbm>>) dst(%arg12 : memref<64x256xf32, #tpu.memory_space<vmem>>)
      %broadcast_in_dim3A = arith.constant 0.000000e+00 : f32
      %broadcast_in_dim3A_31 = vector.broadcast %broadcast_in_dim3A : f32 to vector<16xf32>
      %scan3A_32 = arith.constant 0 : i32
      %scan3A_33 = arith.constant 128 : i32
      %scan3A_34 = arith.addi %scan3A_32, %scan3A_33 : i32
      %scan3A_35 = arith.constant 1 : i32
      %scan3A_36:8 = scf.for %scan3A_366 = %scan3A_32 to %scan3A_34 step %scan3A_35 iter_args(%scan3A_367 = %broadcast_in_dim3A_31, %scan3A_368 = %broadcast_in_dim3A_31, %scan3A_369 = %broadcast_in_dim3A_31, %scan3A_370 = %broadcast_in_dim3A_31, %scan3A_371 = %broadcast_in_dim3A_31, %scan3A_372 = %broadcast_in_dim3A_31, %scan3A_373 = %broadcast_in_dim3A_31, %scan3A_374 = %broadcast_in_dim3A_31) -> (vector<16xf32>, vector<16xf32>, vector<16xf32>, vector<16xf32>, vector<16xf32>, vector<16xf32>, vector<16xf32>, vector<16xf32>)  : i32 {
        %broadcast_in_dim3A_375 = vector.broadcast %scan3A_8 : i32 to vector<16xi32>
        %broadcast_in_dim3A_376 = vector.broadcast %scan3A_366 : i32 to vector<16xi32>
        %gather3A = tpu.vector_load_idx %arg8[%broadcast_in_dim3A_375, %broadcast_in_dim3A_376] : memref<128x128xf32, #tpu.memory_space<vmem>>[vector<16xi32>, vector<16xi32>], vector<16xf32>,
        %broadcast_in_dim3A_377 = vector.broadcast %scan3A_366 : i32 to vector<16xi32>
        %add3A_378 = arith.constant 0 : i32
        %add3A_379 = vector.broadcast %add3A_378 : i32 to vector<16xi32>
        %add3A_380 = arith.addi %iota3A, %add3A_379 : vector<16xi32>
        %gather3A_381 = tpu.vector_load_idx %arg11[%add3A_380, %broadcast_in_dim3A_377] : memref<64x128xf32, #tpu.memory_space<vmem>>[vector<16xi32>, vector<16xi32>], vector<16xf32>,
        %mul3A_382 = arith.mulf %gather3A_381, %gather3A : vector<16xf32>
        %add3A_383 = arith.addf %scan3A_367, %mul3A_382 : vector<16xf32>
        %mul3A_384 = arith.mulf %gather3A_381, %gather3A_381 : vector<16xf32>
        %add3A_385 = arith.addf %scan3A_368, %mul3A_384 : vector<16xf32>
        %add3A_386 = arith.constant 16 : i32
        %add3A_387 = vector.broadcast %add3A_386 : i32 to vector<16xi32>
        %add3A_388 = arith.addi %iota3A, %add3A_387 : vector<16xi32>
        %gather3A_389 = tpu.vector_load_idx %arg11[%add3A_388, %broadcast_in_dim3A_377] : memref<64x128xf32, #tpu.memory_space<vmem>>[vector<16xi32>, vector<16xi32>], vector<16xf32>,
        %mul3A_390 = arith.mulf %gather3A_389, %gather3A : vector<16xf32>
        %add3A_391 = arith.addf %scan3A_369, %mul3A_390 : vector<16xf32>
        %mul3A_392 = arith.mulf %gather3A_389, %gather3A_389 : vector<16xf32>
        %add3A_393 = arith.addf %scan3A_370, %mul3A_392 : vector<16xf32>
        %add3A_394 = arith.constant 32 : i32
        %add3A_395 = vector.broadcast %add3A_394 : i32 to vector<16xi32>
        %add3A_396 = arith.addi %iota3A, %add3A_395 : vector<16xi32>
        %gather3A_397 = tpu.vector_load_idx %arg11[%add3A_396, %broadcast_in_dim3A_377] : memref<64x128xf32, #tpu.memory_space<vmem>>[vector<16xi32>, vector<16xi32>], vector<16xf32>,
        %mul3A_398 = arith.mulf %gather3A_397, %gather3A : vector<16xf32>
        %add3A_399 = arith.addf %scan3A_371, %mul3A_398 : vector<16xf32>
        %mul3A_400 = arith.mulf %gather3A_397, %gather3A_397 : vector<16xf32>
        %add3A_401 = arith.addf %scan3A_372, %mul3A_400 : vector<16xf32>
        %add3A_402 = arith.constant 48 : i32
        %add3A_403 = vector.broadcast %add3A_402 : i32 to vector<16xi32>
        %add3A_404 = arith.addi %iota3A, %add3A_403 : vector<16xi32>
        %gather3A_405 = tpu.vector_load_idx %arg11[%add3A_404, %broadcast_in_dim3A_377] : memref<64x128xf32, #tpu.memory_space<vmem>>[vector<16xi32>, vector<16xi32>], vector<16xf32>,
        %mul3A_406 = arith.mulf %gather3A_405, %gather3A : vector<16xf32>
        %add3A_407 = arith.addf %scan3A_373, %mul3A_406 : vector<16xf32>
        %mul3A_408 = arith.mulf %gather3A_405, %gather3A_405 : vector<16xf32>
        %add3A_409 = arith.addf %scan3A_374, %mul3A_408 : vector<16xf32>
        scf.yield %add3A_383, %add3A_385, %add3A_391, %add3A_393, %add3A_399, %add3A_401, %add3A_407, %add3A_409 : vector<16xf32>, vector<16xf32>, vector<16xf32>, vector<16xf32>, vector<16xf32>, vector<16xf32>, vector<16xf32>, vector<16xf32>
      }
      %scan3A_37 = arith.constant 128 : i32
      %get3A = arith.index_cast %scan3A_8 : i32 to index
      %get3A_38 = arith.constant 0 : index
      %get3A_39 = tpu.vector_load %arg8[%get3A, %get3A_38] {strides = array<i32>} : memref<128x128xf32, #tpu.memory_space<vmem>>, vector<16xf32>,
      %mul3A_40 = arith.mulf %get3A_39, %get3A_39 : vector<16xf32>
      %add3A_41 = arith.addf %broadcast_in_dim3A_31, %mul3A_40 : vector<16xf32>
      %get3A_42 = arith.index_cast %scan3A_8 : i32 to index
      %get3A_43 = arith.constant 16 : index
      %get3A_44 = tpu.vector_load %arg8[%get3A_42, %get3A_43] {strides = array<i32>} : memref<128x128xf32, #tpu.memory_space<vmem>>, vector<16xf32>,
      %mul3A_45 = arith.mulf %get3A_44, %get3A_44 : vector<16xf32>
      %add3A_46 = arith.addf %add3A_41, %mul3A_45 : vector<16xf32>
      %get3A_47 = arith.index_cast %scan3A_8 : i32 to index
      %get3A_48 = arith.constant 32 : index
      %get3A_49 = tpu.vector_load %arg8[%get3A_47, %get3A_48] {strides = array<i32>} : memref<128x128xf32, #tpu.memory_space<vmem>>, vector<16xf32>,
      %mul3A_50 = arith.mulf %get3A_49, %get3A_49 : vector<16xf32>
      %add3A_51 = arith.addf %add3A_46, %mul3A_50 : vector<16xf32>
      %get3A_52 = arith.index_cast %scan3A_8 : i32 to index
      %get3A_53 = arith.constant 48 : index
      %get3A_54 = tpu.vector_load %arg8[%get3A_52, %get3A_53] {strides = array<i32>} : memref<128x128xf32, #tpu.memory_space<vmem>>, vector<16xf32>,
      %mul3A_55 = arith.mulf %get3A_54, %get3A_54 : vector<16xf32>
      %add3A_56 = arith.addf %add3A_51, %mul3A_55 : vector<16xf32>
      %get3A_57 = arith.index_cast %scan3A_8 : i32 to index
      %get3A_58 = arith.constant 64 : index
      %get3A_59 = tpu.vector_load %arg8[%get3A_57, %get3A_58] {strides = array<i32>} : memref<128x128xf32, #tpu.memory_space<vmem>>, vector<16xf32>,
      %mul3A_60 = arith.mulf %get3A_59, %get3A_59 : vector<16xf32>
      %add3A_61 = arith.addf %add3A_56, %mul3A_60 : vector<16xf32>
      %get3A_62 = arith.index_cast %scan3A_8 : i32 to index
      %get3A_63 = arith.constant 80 : index
      %get3A_64 = tpu.vector_load %arg8[%get3A_62, %get3A_63] {strides = array<i32>} : memref<128x128xf32, #tpu.memory_space<vmem>>, vector<16xf32>,
      %mul3A_65 = arith.mulf %get3A_64, %get3A_64 : vector<16xf32>
      %add3A_66 = arith.addf %add3A_61, %mul3A_65 : vector<16xf32>
      %get3A_67 = arith.index_cast %scan3A_8 : i32 to index
      %get3A_68 = arith.constant 96 : index
      %get3A_69 = tpu.vector_load %arg8[%get3A_67, %get3A_68] {strides = array<i32>} : memref<128x128xf32, #tpu.memory_space<vmem>>, vector<16xf32>,
      %mul3A_70 = arith.mulf %get3A_69, %get3A_69 : vector<16xf32>
      %add3A_71 = arith.addf %add3A_66, %mul3A_70 : vector<16xf32>
      %get3A_72 = arith.index_cast %scan3A_8 : i32 to index
      %get3A_73 = arith.constant 112 : index
      %get3A_74 = tpu.vector_load %arg8[%get3A_72, %get3A_73] {strides = array<i32>} : memref<128x128xf32, #tpu.memory_space<vmem>>, vector<16xf32>,
      %mul3A_75 = arith.mulf %get3A_74, %get3A_74 : vector<16xf32>
      %add3A_76 = arith.addf %add3A_71, %mul3A_75 : vector<16xf32>
      %reduce_sum3A = arith.constant true
      %reduce_sum3A_77 = vector.broadcast %reduce_sum3A : i1 to vector<16xi1>
      %reduce_sum3A_78 = tpu.scan <sum>, %add3A_76 masked %reduce_sum3A_77 : vector<16xf32>, vector<16xi1> -> vector<16xf32>
      %reduce_sum3A_79 = vector.extract %reduce_sum3A_78[15] : f32 from vector<16xf32>
      %broadcast_in_dim3A_80 = vector.broadcast %reduce_sum3A_79 : f32 to vector<16xf32>
      %max3A = arith.constant 1.000000e-24 : f32
      %max3A_81 = vector.broadcast %max3A : f32 to vector<16xf32>
      %max3A_82 = arith.maximumf %broadcast_in_dim3A_80, %max3A_81 : vector<16xf32>
      %bitcast_convert_type3A = tpu.bitcast %max3A_82 : vector<16xf32> -> vector<16xi32>
      %shift_right_arithmetic3A = arith.constant 1 : i32
      %shift_right_arithmetic3A_83 = vector.broadcast %shift_right_arithmetic3A : i32 to vector<16xi32>
      %shift_right_arithmetic3A_84 = arith.shrsi %bitcast_convert_type3A, %shift_right_arithmetic3A_83 : vector<16xi32>
      %sub3A = arith.constant 1597463007 : i32
      %sub3A_85 = vector.broadcast %sub3A : i32 to vector<16xi32>
      %sub3A_86 = arith.subi %sub3A_85, %shift_right_arithmetic3A_84 : vector<16xi32>
      %bitcast_convert_type3A_87 = tpu.bitcast %sub3A_86 : vector<16xi32> -> vector<16xf32>
      %mul3A_88 = arith.constant 5.000000e-01 : f32
      %mul3A_89 = vector.broadcast %mul3A_88 : f32 to vector<16xf32>
      %mul3A_90 = arith.mulf %mul3A_89, %max3A_82 : vector<16xf32>
      %mul3A_91 = arith.mulf %mul3A_90, %bitcast_convert_type3A_87 : vector<16xf32>
      %mul3A_92 = arith.mulf %mul3A_91, %bitcast_convert_type3A_87 : vector<16xf32>
      %sub3A_93 = arith.constant 1.500000e+00 : f32
      %sub3A_94 = vector.broadcast %sub3A_93 : f32 to vector<16xf32>
      %sub3A_95 = arith.subf %sub3A_94, %mul3A_92 : vector<16xf32>
      %mul3A_96 = arith.mulf %bitcast_convert_type3A_87, %sub3A_95 : vector<16xf32>
      %mul3A_97 = arith.constant 5.000000e-01 : f32
      %mul3A_98 = vector.broadcast %mul3A_97 : f32 to vector<16xf32>
      %mul3A_99 = arith.mulf %mul3A_98, %max3A_82 : vector<16xf32>
      %mul3A_100 = arith.mulf %mul3A_99, %mul3A_96 : vector<16xf32>
      %mul3A_101 = arith.mulf %mul3A_100, %mul3A_96 : vector<16xf32>
      %sub3A_102 = arith.constant 1.500000e+00 : f32
      %sub3A_103 = vector.broadcast %sub3A_102 : f32 to vector<16xf32>
      %sub3A_104 = arith.subf %sub3A_103, %mul3A_101 : vector<16xf32>
      %mul3A_105 = arith.mulf %mul3A_96, %sub3A_104 : vector<16xf32>
      %mul3A_106 = arith.constant 5.000000e-01 : f32
      %mul3A_107 = vector.broadcast %mul3A_106 : f32 to vector<16xf32>
      %mul3A_108 = arith.mulf %mul3A_107, %max3A_82 : vector<16xf32>
      %mul3A_109 = arith.mulf %mul3A_108, %mul3A_105 : vector<16xf32>
      %mul3A_110 = arith.mulf %mul3A_109, %mul3A_105 : vector<16xf32>
      %sub3A_111 = arith.constant 1.500000e+00 : f32
      %sub3A_112 = vector.broadcast %sub3A_111 : f32 to vector<16xf32>
      %sub3A_113 = arith.subf %sub3A_112, %mul3A_110 : vector<16xf32>
      %mul3A_114 = arith.mulf %mul3A_105, %sub3A_113 : vector<16xf32>
      %max3A_115 = arith.constant 1.000000e-24 : f32
      %max3A_116 = vector.broadcast %max3A_115 : f32 to vector<16xf32>
      %max3A_117 = arith.maximumf %scan3A_36#1, %max3A_116 : vector<16xf32>
      %bitcast_convert_type3A_118 = tpu.bitcast %max3A_117 : vector<16xf32> -> vector<16xi32>
      %shift_right_arithmetic3A_119 = arith.constant 1 : i32
      %shift_right_arithmetic3A_120 = vector.broadcast %shift_right_arithmetic3A_119 : i32 to vector<16xi32>
      %shift_right_arithmetic3A_121 = arith.shrsi %bitcast_convert_type3A_118, %shift_right_arithmetic3A_120 : vector<16xi32>
      %sub3A_122 = arith.constant 1597463007 : i32
      %sub3A_123 = vector.broadcast %sub3A_122 : i32 to vector<16xi32>
      %sub3A_124 = arith.subi %sub3A_123, %shift_right_arithmetic3A_121 : vector<16xi32>
      %bitcast_convert_type3A_125 = tpu.bitcast %sub3A_124 : vector<16xi32> -> vector<16xf32>
      %mul3A_126 = arith.constant 5.000000e-01 : f32
      %mul3A_127 = vector.broadcast %mul3A_126 : f32 to vector<16xf32>
      %mul3A_128 = arith.mulf %mul3A_127, %max3A_117 : vector<16xf32>
      %mul3A_129 = arith.mulf %mul3A_128, %bitcast_convert_type3A_125 : vector<16xf32>
      %mul3A_130 = arith.mulf %mul3A_129, %bitcast_convert_type3A_125 : vector<16xf32>
      %sub3A_131 = arith.constant 1.500000e+00 : f32
      %sub3A_132 = vector.broadcast %sub3A_131 : f32 to vector<16xf32>
      %sub3A_133 = arith.subf %sub3A_132, %mul3A_130 : vector<16xf32>
      %mul3A_134 = arith.mulf %bitcast_convert_type3A_125, %sub3A_133 : vector<16xf32>
      %mul3A_135 = arith.constant 5.000000e-01 : f32
      %mul3A_136 = vector.broadcast %mul3A_135 : f32 to vector<16xf32>
      %mul3A_137 = arith.mulf %mul3A_136, %max3A_117 : vector<16xf32>
      %mul3A_138 = arith.mulf %mul3A_137, %mul3A_134 : vector<16xf32>
      %mul3A_139 = arith.mulf %mul3A_138, %mul3A_134 : vector<16xf32>
      %sub3A_140 = arith.constant 1.500000e+00 : f32
      %sub3A_141 = vector.broadcast %sub3A_140 : f32 to vector<16xf32>
      %sub3A_142 = arith.subf %sub3A_141, %mul3A_139 : vector<16xf32>
      %mul3A_143 = arith.mulf %mul3A_134, %sub3A_142 : vector<16xf32>
      %mul3A_144 = arith.constant 5.000000e-01 : f32
      %mul3A_145 = vector.broadcast %mul3A_144 : f32 to vector<16xf32>
      %mul3A_146 = arith.mulf %mul3A_145, %max3A_117 : vector<16xf32>
      %mul3A_147 = arith.mulf %mul3A_146, %mul3A_143 : vector<16xf32>
      %mul3A_148 = arith.mulf %mul3A_147, %mul3A_143 : vector<16xf32>
      %sub3A_149 = arith.constant 1.500000e+00 : f32
      %sub3A_150 = vector.broadcast %sub3A_149 : f32 to vector<16xf32>
      %sub3A_151 = arith.subf %sub3A_150, %mul3A_148 : vector<16xf32>
      %mul3A_152 = arith.mulf %mul3A_143, %sub3A_151 : vector<16xf32>
      %mul3A_153 = arith.mulf %scan3A_36#0, %mul3A_152 : vector<16xf32>
      %mul3A_154 = arith.mulf %mul3A_153, %mul3A_114 : vector<16xf32>
      %exp3A = math.exp %mul3A_154 : vector<16xf32>
      %get3A_155 = arith.index_cast %scan3A_8 : i32 to index
      %get3A_156 = arith.constant 0 : index
      %get3A_157 = tpu.vector_load %arg10[%get3A_155, %get3A_156] {strides = array<i32>} : memref<128x64xf32, #tpu.memory_space<vmem>>, vector<16xf32>,
      %mul3A_158 = arith.mulf %exp3A, %get3A_157 : vector<16xf32>
      %max3A_159 = arith.constant 1.000000e-24 : f32
      %max3A_160 = vector.broadcast %max3A_159 : f32 to vector<16xf32>
      %max3A_161 = arith.maximumf %scan3A_36#3, %max3A_160 : vector<16xf32>
      %bitcast_convert_type3A_162 = tpu.bitcast %max3A_161 : vector<16xf32> -> vector<16xi32>
      %shift_right_arithmetic3A_163 = arith.constant 1 : i32
      %shift_right_arithmetic3A_164 = vector.broadcast %shift_right_arithmetic3A_163 : i32 to vector<16xi32>
      %shift_right_arithmetic3A_165 = arith.shrsi %bitcast_convert_type3A_162, %shift_right_arithmetic3A_164 : vector<16xi32>
      %sub3A_166 = arith.constant 1597463007 : i32
      %sub3A_167 = vector.broadcast %sub3A_166 : i32 to vector<16xi32>
      %sub3A_168 = arith.subi %sub3A_167, %shift_right_arithmetic3A_165 : vector<16xi32>
      %bitcast_convert_type3A_169 = tpu.bitcast %sub3A_168 : vector<16xi32> -> vector<16xf32>
      %mul3A_170 = arith.constant 5.000000e-01 : f32
      %mul3A_171 = vector.broadcast %mul3A_170 : f32 to vector<16xf32>
      %mul3A_172 = arith.mulf %mul3A_171, %max3A_161 : vector<16xf32>
      %mul3A_173 = arith.mulf %mul3A_172, %bitcast_convert_type3A_169 : vector<16xf32>
      %mul3A_174 = arith.mulf %mul3A_173, %bitcast_convert_type3A_169 : vector<16xf32>
      %sub3A_175 = arith.constant 1.500000e+00 : f32
      %sub3A_176 = vector.broadcast %sub3A_175 : f32 to vector<16xf32>
      %sub3A_177 = arith.subf %sub3A_176, %mul3A_174 : vector<16xf32>
      %mul3A_178 = arith.mulf %bitcast_convert_type3A_169, %sub3A_177 : vector<16xf32>
      %mul3A_179 = arith.constant 5.000000e-01 : f32
      %mul3A_180 = vector.broadcast %mul3A_179 : f32 to vector<16xf32>
      %mul3A_181 = arith.mulf %mul3A_180, %max3A_161 : vector<16xf32>
      %mul3A_182 = arith.mulf %mul3A_181, %mul3A_178 : vector<16xf32>
      %mul3A_183 = arith.mulf %mul3A_182, %mul3A_178 : vector<16xf32>
      %sub3A_184 = arith.constant 1.500000e+00 : f32
      %sub3A_185 = vector.broadcast %sub3A_184 : f32 to vector<16xf32>
      %sub3A_186 = arith.subf %sub3A_185, %mul3A_183 : vector<16xf32>
      %mul3A_187 = arith.mulf %mul3A_178, %sub3A_186 : vector<16xf32>
      %mul3A_188 = arith.constant 5.000000e-01 : f32
      %mul3A_189 = vector.broadcast %mul3A_188 : f32 to vector<16xf32>
      %mul3A_190 = arith.mulf %mul3A_189, %max3A_161 : vector<16xf32>
      %mul3A_191 = arith.mulf %mul3A_190, %mul3A_187 : vector<16xf32>
      %mul3A_192 = arith.mulf %mul3A_191, %mul3A_187 : vector<16xf32>
      %sub3A_193 = arith.constant 1.500000e+00 : f32
      %sub3A_194 = vector.broadcast %sub3A_193 : f32 to vector<16xf32>
      %sub3A_195 = arith.subf %sub3A_194, %mul3A_192 : vector<16xf32>
      %mul3A_196 = arith.mulf %mul3A_187, %sub3A_195 : vector<16xf32>
      %mul3A_197 = arith.mulf %scan3A_36#2, %mul3A_196 : vector<16xf32>
      %mul3A_198 = arith.mulf %mul3A_197, %mul3A_114 : vector<16xf32>
      %exp3A_199 = math.exp %mul3A_198 : vector<16xf32>
      %get3A_200 = arith.index_cast %scan3A_8 : i32 to index
      %get3A_201 = arith.constant 16 : index
      %get3A_202 = tpu.vector_load %arg10[%get3A_200, %get3A_201] {strides = array<i32>} : memref<128x64xf32, #tpu.memory_space<vmem>>, vector<16xf32>,
      %mul3A_203 = arith.mulf %exp3A_199, %get3A_202 : vector<16xf32>
      %max3A_204 = arith.constant 1.000000e-24 : f32
      %max3A_205 = vector.broadcast %max3A_204 : f32 to vector<16xf32>
      %max3A_206 = arith.maximumf %scan3A_36#5, %max3A_205 : vector<16xf32>
      %bitcast_convert_type3A_207 = tpu.bitcast %max3A_206 : vector<16xf32> -> vector<16xi32>
      %shift_right_arithmetic3A_208 = arith.constant 1 : i32
      %shift_right_arithmetic3A_209 = vector.broadcast %shift_right_arithmetic3A_208 : i32 to vector<16xi32>
      %shift_right_arithmetic3A_210 = arith.shrsi %bitcast_convert_type3A_207, %shift_right_arithmetic3A_209 : vector<16xi32>
      %sub3A_211 = arith.constant 1597463007 : i32
      %sub3A_212 = vector.broadcast %sub3A_211 : i32 to vector<16xi32>
      %sub3A_213 = arith.subi %sub3A_212, %shift_right_arithmetic3A_210 : vector<16xi32>
      %bitcast_convert_type3A_214 = tpu.bitcast %sub3A_213 : vector<16xi32> -> vector<16xf32>
      %mul3A_215 = arith.constant 5.000000e-01 : f32
      %mul3A_216 = vector.broadcast %mul3A_215 : f32 to vector<16xf32>
      %mul3A_217 = arith.mulf %mul3A_216, %max3A_206 : vector<16xf32>
      %mul3A_218 = arith.mulf %mul3A_217, %bitcast_convert_type3A_214 : vector<16xf32>
      %mul3A_219 = arith.mulf %mul3A_218, %bitcast_convert_type3A_214 : vector<16xf32>
      %sub3A_220 = arith.constant 1.500000e+00 : f32
      %sub3A_221 = vector.broadcast %sub3A_220 : f32 to vector<16xf32>
      %sub3A_222 = arith.subf %sub3A_221, %mul3A_219 : vector<16xf32>
      %mul3A_223 = arith.mulf %bitcast_convert_type3A_214, %sub3A_222 : vector<16xf32>
      %mul3A_224 = arith.constant 5.000000e-01 : f32
      %mul3A_225 = vector.broadcast %mul3A_224 : f32 to vector<16xf32>
      %mul3A_226 = arith.mulf %mul3A_225, %max3A_206 : vector<16xf32>
      %mul3A_227 = arith.mulf %mul3A_226, %mul3A_223 : vector<16xf32>
      %mul3A_228 = arith.mulf %mul3A_227, %mul3A_223 : vector<16xf32>
      %sub3A_229 = arith.constant 1.500000e+00 : f32
      %sub3A_230 = vector.broadcast %sub3A_229 : f32 to vector<16xf32>
      %sub3A_231 = arith.subf %sub3A_230, %mul3A_228 : vector<16xf32>
      %mul3A_232 = arith.mulf %mul3A_223, %sub3A_231 : vector<16xf32>
      %mul3A_233 = arith.constant 5.000000e-01 : f32
      %mul3A_234 = vector.broadcast %mul3A_233 : f32 to vector<16xf32>
      %mul3A_235 = arith.mulf %mul3A_234, %max3A_206 : vector<16xf32>
      %mul3A_236 = arith.mulf %mul3A_235, %mul3A_232 : vector<16xf32>
      %mul3A_237 = arith.mulf %mul3A_236, %mul3A_232 : vector<16xf32>
      %sub3A_238 = arith.constant 1.500000e+00 : f32
      %sub3A_239 = vector.broadcast %sub3A_238 : f32 to vector<16xf32>
      %sub3A_240 = arith.subf %sub3A_239, %mul3A_237 : vector<16xf32>
      %mul3A_241 = arith.mulf %mul3A_232, %sub3A_240 : vector<16xf32>
      %mul3A_242 = arith.mulf %scan3A_36#4, %mul3A_241 : vector<16xf32>
      %mul3A_243 = arith.mulf %mul3A_242, %mul3A_114 : vector<16xf32>
      %exp3A_244 = math.exp %mul3A_243 : vector<16xf32>
      %get3A_245 = arith.index_cast %scan3A_8 : i32 to index
      %get3A_246 = arith.constant 32 : index
      %get3A_247 = tpu.vector_load %arg10[%get3A_245, %get3A_246] {strides = array<i32>} : memref<128x64xf32, #tpu.memory_space<vmem>>, vector<16xf32>,
      %mul3A_248 = arith.mulf %exp3A_244, %get3A_247 : vector<16xf32>
      %max3A_249 = arith.constant 1.000000e-24 : f32
      %max3A_250 = vector.broadcast %max3A_249 : f32 to vector<16xf32>
      %max3A_251 = arith.maximumf %scan3A_36#7, %max3A_250 : vector<16xf32>
      %bitcast_convert_type3A_252 = tpu.bitcast %max3A_251 : vector<16xf32> -> vector<16xi32>
      %shift_right_arithmetic3A_253 = arith.constant 1 : i32
      %shift_right_arithmetic3A_254 = vector.broadcast %shift_right_arithmetic3A_253 : i32 to vector<16xi32>
      %shift_right_arithmetic3A_255 = arith.shrsi %bitcast_convert_type3A_252, %shift_right_arithmetic3A_254 : vector<16xi32>
      %sub3A_256 = arith.constant 1597463007 : i32
      %sub3A_257 = vector.broadcast %sub3A_256 : i32 to vector<16xi32>
      %sub3A_258 = arith.subi %sub3A_257, %shift_right_arithmetic3A_255 : vector<16xi32>
      %bitcast_convert_type3A_259 = tpu.bitcast %sub3A_258 : vector<16xi32> -> vector<16xf32>
      %mul3A_260 = arith.constant 5.000000e-01 : f32
      %mul3A_261 = vector.broadcast %mul3A_260 : f32 to vector<16xf32>
      %mul3A_262 = arith.mulf %mul3A_261, %max3A_251 : vector<16xf32>
      %mul3A_263 = arith.mulf %mul3A_262, %bitcast_convert_type3A_259 : vector<16xf32>
      %mul3A_264 = arith.mulf %mul3A_263, %bitcast_convert_type3A_259 : vector<16xf32>
      %sub3A_265 = arith.constant 1.500000e+00 : f32
      %sub3A_266 = vector.broadcast %sub3A_265 : f32 to vector<16xf32>
      %sub3A_267 = arith.subf %sub3A_266, %mul3A_264 : vector<16xf32>
      %mul3A_268 = arith.mulf %bitcast_convert_type3A_259, %sub3A_267 : vector<16xf32>
      %mul3A_269 = arith.constant 5.000000e-01 : f32
      %mul3A_270 = vector.broadcast %mul3A_269 : f32 to vector<16xf32>
      %mul3A_271 = arith.mulf %mul3A_270, %max3A_251 : vector<16xf32>
      %mul3A_272 = arith.mulf %mul3A_271, %mul3A_268 : vector<16xf32>
      %mul3A_273 = arith.mulf %mul3A_272, %mul3A_268 : vector<16xf32>
      %sub3A_274 = arith.constant 1.500000e+00 : f32
      %sub3A_275 = vector.broadcast %sub3A_274 : f32 to vector<16xf32>
      %sub3A_276 = arith.subf %sub3A_275, %mul3A_273 : vector<16xf32>
      %mul3A_277 = arith.mulf %mul3A_268, %sub3A_276 : vector<16xf32>
      %mul3A_278 = arith.constant 5.000000e-01 : f32
      %mul3A_279 = vector.broadcast %mul3A_278 : f32 to vector<16xf32>
      %mul3A_280 = arith.mulf %mul3A_279, %max3A_251 : vector<16xf32>
      %mul3A_281 = arith.mulf %mul3A_280, %mul3A_277 : vector<16xf32>
      %mul3A_282 = arith.mulf %mul3A_281, %mul3A_277 : vector<16xf32>
      %sub3A_283 = arith.constant 1.500000e+00 : f32
      %sub3A_284 = vector.broadcast %sub3A_283 : f32 to vector<16xf32>
      %sub3A_285 = arith.subf %sub3A_284, %mul3A_282 : vector<16xf32>
      %mul3A_286 = arith.mulf %mul3A_277, %sub3A_285 : vector<16xf32>
      %mul3A_287 = arith.mulf %scan3A_36#6, %mul3A_286 : vector<16xf32>
      %mul3A_288 = arith.mulf %mul3A_287, %mul3A_114 : vector<16xf32>
      %exp3A_289 = math.exp %mul3A_288 : vector<16xf32>
      %get3A_290 = arith.index_cast %scan3A_8 : i32 to index
      %get3A_291 = arith.constant 48 : index
      %get3A_292 = tpu.vector_load %arg10[%get3A_290, %get3A_291] {strides = array<i32>} : memref<128x64xf32, #tpu.memory_space<vmem>>, vector<16xf32>,
      %mul3A_293 = arith.mulf %exp3A_289, %get3A_292 : vector<16xf32>
      %add3A_294 = arith.addf %mul3A_158, %mul3A_203 : vector<16xf32>
      %add3A_295 = arith.addf %add3A_294, %mul3A_248 : vector<16xf32>
      %add3A_296 = arith.addf %add3A_295, %mul3A_293 : vector<16xf32>
      %reduce_sum3A_297 = arith.constant true
      %reduce_sum3A_298 = vector.broadcast %reduce_sum3A_297 : i1 to vector<16xi1>
      %reduce_sum3A_299 = tpu.scan <sum>, %add3A_296 masked %reduce_sum3A_298 : vector<16xf32>, vector<16xi1> -> vector<16xf32>
      %reduce_sum3A_300 = vector.extract %reduce_sum3A_299[15] : f32 from vector<16xf32>
      %broadcast_in_dim3A_301 = vector.broadcast %reduce_sum3A_300 : f32 to vector<16xf32>
      %div3A = arith.divf %mul3A_158, %broadcast_in_dim3A_301 : vector<16xf32>
      %swap3A = arith.constant 0 : index
      %swap3A_302 = tpu.vector_load %arg13[%swap3A] {strides = array<i32>} : memref<64xf32, #tpu.memory_space<vmem>>, vector<16xf32>,
      tpu.vector_store %arg13[%swap3A], %div3A {strides = array<i32>} : memref<64xf32, #tpu.memory_space<vmem>>, vector<16xf32>,
      %div3A_303 = arith.divf %mul3A_203, %broadcast_in_dim3A_301 : vector<16xf32>
      %swap3A_304 = arith.constant 16 : index
      %swap3A_305 = tpu.vector_load %arg13[%swap3A_304] {strides = array<i32>} : memref<64xf32, #tpu.memory_space<vmem>>, vector<16xf32>,
      tpu.vector_store %arg13[%swap3A_304], %div3A_303 {strides = array<i32>} : memref<64xf32, #tpu.memory_space<vmem>>, vector<16xf32>,
      %div3A_306 = arith.divf %mul3A_248, %broadcast_in_dim3A_301 : vector<16xf32>
      %swap3A_307 = arith.constant 32 : index
      %swap3A_308 = tpu.vector_load %arg13[%swap3A_307] {strides = array<i32>} : memref<64xf32, #tpu.memory_space<vmem>>, vector<16xf32>,
      tpu.vector_store %arg13[%swap3A_307], %div3A_306 {strides = array<i32>} : memref<64xf32, #tpu.memory_space<vmem>>, vector<16xf32>,
      %div3A_309 = arith.divf %mul3A_293, %broadcast_in_dim3A_301 : vector<16xf32>
      %swap3A_310 = arith.constant 48 : index
      %swap3A_311 = tpu.vector_load %arg13[%swap3A_310] {strides = array<i32>} : memref<64xf32, #tpu.memory_space<vmem>>, vector<16xf32>,
      tpu.vector_store %arg13[%swap3A_310], %div3A_309 {strides = array<i32>} : memref<64xf32, #tpu.memory_space<vmem>>, vector<16xf32>,
      %scan3A_312 = arith.constant 0 : i32
      %scan3A_313 = arith.constant 64 : i32
      %scan3A_314 = arith.addi %scan3A_312, %scan3A_313 : i32
      %scan3A_315 = arith.constant 1 : i32
      %scan3A_316:16 = scf.for %scan3A_366 = %scan3A_312 to %scan3A_314 step %scan3A_315 iter_args(%scan3A_367 = %broadcast_in_dim3A_31, %scan3A_368 = %broadcast_in_dim3A_31, %scan3A_369 = %broadcast_in_dim3A_31, %scan3A_370 = %broadcast_in_dim3A_31, %scan3A_371 = %broadcast_in_dim3A_31, %scan3A_372 = %broadcast_in_dim3A_31, %scan3A_373 = %broadcast_in_dim3A_31, %scan3A_374 = %broadcast_in_dim3A_31, %scan3A_375 = %broadcast_in_dim3A_31, %scan3A_376 = %broadcast_in_dim3A_31, %scan3A_377 = %broadcast_in_dim3A_31, %scan3A_378 = %broadcast_in_dim3A_31, %scan3A_379 = %broadcast_in_dim3A_31, %scan3A_380 = %broadcast_in_dim3A_31, %scan3A_381 = %broadcast_in_dim3A_31, %scan3A_382 = %broadcast_in_dim3A_31) -> (vector<16xf32>, vector<16xf32>, vector<16xf32>, vector<16xf32>, vector<16xf32>, vector<16xf32>, vector<16xf32>, vector<16xf32>, vector<16xf32>, vector<16xf32>, vector<16xf32>, vector<16xf32>, vector<16xf32>, vector<16xf32>, vector<16xf32>, vector<16xf32>)  : i32 {
        %broadcast_in_dim3A_383 = vector.broadcast %scan3A_366 : i32 to vector<16xi32>
        %gather3A = tpu.vector_load_idx %arg13[%broadcast_in_dim3A_383] : memref<64xf32, #tpu.memory_space<vmem>>[vector<16xi32>], vector<16xf32>,
        %get3A_384 = arith.index_cast %scan3A_366 : i32 to index
        %get3A_385 = arith.constant 0 : index
        %get3A_386 = tpu.vector_load %arg12[%get3A_384, %get3A_385] {strides = array<i32>} : memref<64x256xf32, #tpu.memory_space<vmem>>, vector<16xf32>,
        %mul3A_387 = arith.mulf %gather3A, %get3A_386 : vector<16xf32>
        %add3A_388 = arith.addf %scan3A_367, %mul3A_387 : vector<16xf32>
        %get3A_389 = arith.index_cast %scan3A_366 : i32 to index
        %get3A_390 = arith.constant 16 : index
        %get3A_391 = tpu.vector_load %arg12[%get3A_389, %get3A_390] {strides = array<i32>} : memref<64x256xf32, #tpu.memory_space<vmem>>, vector<16xf32>,
        %mul3A_392 = arith.mulf %gather3A, %get3A_391 : vector<16xf32>
        %add3A_393 = arith.addf %scan3A_368, %mul3A_392 : vector<16xf32>
        %get3A_394 = arith.index_cast %scan3A_366 : i32 to index
        %get3A_395 = arith.constant 32 : index
        %get3A_396 = tpu.vector_load %arg12[%get3A_394, %get3A_395] {strides = array<i32>} : memref<64x256xf32, #tpu.memory_space<vmem>>, vector<16xf32>,
        %mul3A_397 = arith.mulf %gather3A, %get3A_396 : vector<16xf32>
        %add3A_398 = arith.addf %scan3A_369, %mul3A_397 : vector<16xf32>
        %get3A_399 = arith.index_cast %scan3A_366 : i32 to index
        %get3A_400 = arith.constant 48 : index
        %get3A_401 = tpu.vector_load %arg12[%get3A_399, %get3A_400] {strides = array<i32>} : memref<64x256xf32, #tpu.memory_space<vmem>>, vector<16xf32>,
        %mul3A_402 = arith.mulf %gather3A, %get3A_401 : vector<16xf32>
        %add3A_403 = arith.addf %scan3A_370, %mul3A_402 : vector<16xf32>
        %get3A_404 = arith.index_cast %scan3A_366 : i32 to index
        %get3A_405 = arith.constant 64 : index
        %get3A_406 = tpu.vector_load %arg12[%get3A_404, %get3A_405] {strides = array<i32>} : memref<64x256xf32, #tpu.memory_space<vmem>>, vector<16xf32>,
        %mul3A_407 = arith.mulf %gather3A, %get3A_406 : vector<16xf32>
        %add3A_408 = arith.addf %scan3A_371, %mul3A_407 : vector<16xf32>
        %get3A_409 = arith.index_cast %scan3A_366 : i32 to index
        %get3A_410 = arith.constant 80 : index
        %get3A_411 = tpu.vector_load %arg12[%get3A_409, %get3A_410] {strides = array<i32>} : memref<64x256xf32, #tpu.memory_space<vmem>>, vector<16xf32>,
        %mul3A_412 = arith.mulf %gather3A, %get3A_411 : vector<16xf32>
        %add3A_413 = arith.addf %scan3A_372, %mul3A_412 : vector<16xf32>
        %get3A_414 = arith.index_cast %scan3A_366 : i32 to index
        %get3A_415 = arith.constant 96 : index
        %get3A_416 = tpu.vector_load %arg12[%get3A_414, %get3A_415] {strides = array<i32>} : memref<64x256xf32, #tpu.memory_space<vmem>>, vector<16xf32>,
        %mul3A_417 = arith.mulf %gather3A, %get3A_416 : vector<16xf32>
        %add3A_418 = arith.addf %scan3A_373, %mul3A_417 : vector<16xf32>
        %get3A_419 = arith.index_cast %scan3A_366 : i32 to index
        %get3A_420 = arith.constant 112 : index
        %get3A_421 = tpu.vector_load %arg12[%get3A_419, %get3A_420] {strides = array<i32>} : memref<64x256xf32, #tpu.memory_space<vmem>>, vector<16xf32>,
        %mul3A_422 = arith.mulf %gather3A, %get3A_421 : vector<16xf32>
        %add3A_423 = arith.addf %scan3A_374, %mul3A_422 : vector<16xf32>
        %get3A_424 = arith.index_cast %scan3A_366 : i32 to index
        %get3A_425 = arith.constant 128 : index
        %get3A_426 = tpu.vector_load %arg12[%get3A_424, %get3A_425] {strides = array<i32>} : memref<64x256xf32, #tpu.memory_space<vmem>>, vector<16xf32>,
        %mul3A_427 = arith.mulf %gather3A, %get3A_426 : vector<16xf32>
        %add3A_428 = arith.addf %scan3A_375, %mul3A_427 : vector<16xf32>
        %get3A_429 = arith.index_cast %scan3A_366 : i32 to index
        %get3A_430 = arith.constant 144 : index
        %get3A_431 = tpu.vector_load %arg12[%get3A_429, %get3A_430] {strides = array<i32>} : memref<64x256xf32, #tpu.memory_space<vmem>>, vector<16xf32>,
        %mul3A_432 = arith.mulf %gather3A, %get3A_431 : vector<16xf32>
        %add3A_433 = arith.addf %scan3A_376, %mul3A_432 : vector<16xf32>
        %get3A_434 = arith.index_cast %scan3A_366 : i32 to index
        %get3A_435 = arith.constant 160 : index
        %get3A_436 = tpu.vector_load %arg12[%get3A_434, %get3A_435] {strides = array<i32>} : memref<64x256xf32, #tpu.memory_space<vmem>>, vector<16xf32>,
        %mul3A_437 = arith.mulf %gather3A, %get3A_436 : vector<16xf32>
        %add3A_438 = arith.addf %scan3A_377, %mul3A_437 : vector<16xf32>
        %get3A_439 = arith.index_cast %scan3A_366 : i32 to index
        %get3A_440 = arith.constant 176 : index
        %get3A_441 = tpu.vector_load %arg12[%get3A_439, %get3A_440] {strides = array<i32>} : memref<64x256xf32, #tpu.memory_space<vmem>>, vector<16xf32>,
        %mul3A_442 = arith.mulf %gather3A, %get3A_441 : vector<16xf32>
        %add3A_443 = arith.addf %scan3A_378, %mul3A_442 : vector<16xf32>
        %get3A_444 = arith.index_cast %scan3A_366 : i32 to index
        %get3A_445 = arith.constant 192 : index
        %get3A_446 = tpu.vector_load %arg12[%get3A_444, %get3A_445] {strides = array<i32>} : memref<64x256xf32, #tpu.memory_space<vmem>>, vector<16xf32>,
        %mul3A_447 = arith.mulf %gather3A, %get3A_446 : vector<16xf32>
        %add3A_448 = arith.addf %scan3A_379, %mul3A_447 : vector<16xf32>
        %get3A_449 = arith.index_cast %scan3A_366 : i32 to index
        %get3A_450 = arith.constant 208 : index
        %get3A_451 = tpu.vector_load %arg12[%get3A_449, %get3A_450] {strides = array<i32>} : memref<64x256xf32, #tpu.memory_space<vmem>>, vector<16xf32>,
        %mul3A_452 = arith.mulf %gather3A, %get3A_451 : vector<16xf32>
        %add3A_453 = arith.addf %scan3A_380, %mul3A_452 : vector<16xf32>
        %get3A_454 = arith.index_cast %scan3A_366 : i32 to index
        %get3A_455 = arith.constant 224 : index
        %get3A_456 = tpu.vector_load %arg12[%get3A_454, %get3A_455] {strides = array<i32>} : memref<64x256xf32, #tpu.memory_space<vmem>>, vector<16xf32>,
        %mul3A_457 = arith.mulf %gather3A, %get3A_456 : vector<16xf32>
        %add3A_458 = arith.addf %scan3A_381, %mul3A_457 : vector<16xf32>
        %get3A_459 = arith.index_cast %scan3A_366 : i32 to index
        %get3A_460 = arith.constant 240 : index
        %get3A_461 = tpu.vector_load %arg12[%get3A_459, %get3A_460] {strides = array<i32>} : memref<64x256xf32, #tpu.memory_space<vmem>>, vector<16xf32>,
        %mul3A_462 = arith.mulf %gather3A, %get3A_461 : vector<16xf32>
        %add3A_463 = arith.addf %scan3A_382, %mul3A_462 : vector<16xf32>
        scf.yield %add3A_388, %add3A_393, %add3A_398, %add3A_403, %add3A_408, %add3A_413, %add3A_418, %add3A_423, %add3A_428, %add3A_433, %add3A_438, %add3A_443, %add3A_448, %add3A_453, %add3A_458, %add3A_463 : vector<16xf32>, vector<16xf32>, vector<16xf32>, vector<16xf32>, vector<16xf32>, vector<16xf32>, vector<16xf32>, vector<16xf32>, vector<16xf32>, vector<16xf32>, vector<16xf32>, vector<16xf32>, vector<16xf32>, vector<16xf32>, vector<16xf32>, vector<16xf32>
      }
      %scan3A_317 = arith.constant 64 : i32
      %swap3A_318 = arith.index_cast %scan3A_8 : i32 to index
      %swap3A_319 = arith.constant 0 : index
      %swap3A_320 = tpu.vector_load %arg14[%swap3A_318, %swap3A_319] {strides = array<i32>} : memref<128x256xf32, #tpu.memory_space<vmem>>, vector<16xf32>,
      tpu.vector_store %arg14[%swap3A_318, %swap3A_319], %scan3A_316#0 {strides = array<i32>} : memref<128x256xf32, #tpu.memory_space<vmem>>, vector<16xf32>,
      %swap3A_321 = arith.index_cast %scan3A_8 : i32 to index
      %swap3A_322 = arith.constant 16 : index
      %swap3A_323 = tpu.vector_load %arg14[%swap3A_321, %swap3A_322] {strides = array<i32>} : memref<128x256xf32, #tpu.memory_space<vmem>>, vector<16xf32>,
      tpu.vector_store %arg14[%swap3A_321, %swap3A_322], %scan3A_316#1 {strides = array<i32>} : memref<128x256xf32, #tpu.memory_space<vmem>>, vector<16xf32>,
      %swap3A_324 = arith.index_cast %scan3A_8 : i32 to index
      %swap3A_325 = arith.constant 32 : index
      %swap3A_326 = tpu.vector_load %arg14[%swap3A_324, %swap3A_325] {strides = array<i32>} : memref<128x256xf32, #tpu.memory_space<vmem>>, vector<16xf32>,
      tpu.vector_store %arg14[%swap3A_324, %swap3A_325], %scan3A_316#2 {strides = array<i32>} : memref<128x256xf32, #tpu.memory_space<vmem>>, vector<16xf32>,
      %swap3A_327 = arith.index_cast %scan3A_8 : i32 to index
      %swap3A_328 = arith.constant 48 : index
      %swap3A_329 = tpu.vector_load %arg14[%swap3A_327, %swap3A_328] {strides = array<i32>} : memref<128x256xf32, #tpu.memory_space<vmem>>, vector<16xf32>,
      tpu.vector_store %arg14[%swap3A_327, %swap3A_328], %scan3A_316#3 {strides = array<i32>} : memref<128x256xf32, #tpu.memory_space<vmem>>, vector<16xf32>,
      %swap3A_330 = arith.index_cast %scan3A_8 : i32 to index
      %swap3A_331 = arith.constant 64 : index
      %swap3A_332 = tpu.vector_load %arg14[%swap3A_330, %swap3A_331] {strides = array<i32>} : memref<128x256xf32, #tpu.memory_space<vmem>>, vector<16xf32>,
      tpu.vector_store %arg14[%swap3A_330, %swap3A_331], %scan3A_316#4 {strides = array<i32>} : memref<128x256xf32, #tpu.memory_space<vmem>>, vector<16xf32>,
      %swap3A_333 = arith.index_cast %scan3A_8 : i32 to index
      %swap3A_334 = arith.constant 80 : index
      %swap3A_335 = tpu.vector_load %arg14[%swap3A_333, %swap3A_334] {strides = array<i32>} : memref<128x256xf32, #tpu.memory_space<vmem>>, vector<16xf32>,
      tpu.vector_store %arg14[%swap3A_333, %swap3A_334], %scan3A_316#5 {strides = array<i32>} : memref<128x256xf32, #tpu.memory_space<vmem>>, vector<16xf32>,
      %swap3A_336 = arith.index_cast %scan3A_8 : i32 to index
      %swap3A_337 = arith.constant 96 : index
      %swap3A_338 = tpu.vector_load %arg14[%swap3A_336, %swap3A_337] {strides = array<i32>} : memref<128x256xf32, #tpu.memory_space<vmem>>, vector<16xf32>,
      tpu.vector_store %arg14[%swap3A_336, %swap3A_337], %scan3A_316#6 {strides = array<i32>} : memref<128x256xf32, #tpu.memory_space<vmem>>, vector<16xf32>,
      %swap3A_339 = arith.index_cast %scan3A_8 : i32 to index
      %swap3A_340 = arith.constant 112 : index
      %swap3A_341 = tpu.vector_load %arg14[%swap3A_339, %swap3A_340] {strides = array<i32>} : memref<128x256xf32, #tpu.memory_space<vmem>>, vector<16xf32>,
      tpu.vector_store %arg14[%swap3A_339, %swap3A_340], %scan3A_316#7 {strides = array<i32>} : memref<128x256xf32, #tpu.memory_space<vmem>>, vector<16xf32>,
      %swap3A_342 = arith.index_cast %scan3A_8 : i32 to index
      %swap3A_343 = arith.constant 128 : index
      %swap3A_344 = tpu.vector_load %arg14[%swap3A_342, %swap3A_343] {strides = array<i32>} : memref<128x256xf32, #tpu.memory_space<vmem>>, vector<16xf32>,
      tpu.vector_store %arg14[%swap3A_342, %swap3A_343], %scan3A_316#8 {strides = array<i32>} : memref<128x256xf32, #tpu.memory_space<vmem>>, vector<16xf32>,
      %swap3A_345 = arith.index_cast %scan3A_8 : i32 to index
      %swap3A_346 = arith.constant 144 : index
      %swap3A_347 = tpu.vector_load %arg14[%swap3A_345, %swap3A_346] {strides = array<i32>} : memref<128x256xf32, #tpu.memory_space<vmem>>, vector<16xf32>,
      tpu.vector_store %arg14[%swap3A_345, %swap3A_346], %scan3A_316#9 {strides = array<i32>} : memref<128x256xf32, #tpu.memory_space<vmem>>, vector<16xf32>,
      %swap3A_348 = arith.index_cast %scan3A_8 : i32 to index
      %swap3A_349 = arith.constant 160 : index
      %swap3A_350 = tpu.vector_load %arg14[%swap3A_348, %swap3A_349] {strides = array<i32>} : memref<128x256xf32, #tpu.memory_space<vmem>>, vector<16xf32>,
      tpu.vector_store %arg14[%swap3A_348, %swap3A_349], %scan3A_316#10 {strides = array<i32>} : memref<128x256xf32, #tpu.memory_space<vmem>>, vector<16xf32>,
      %swap3A_351 = arith.index_cast %scan3A_8 : i32 to index
      %swap3A_352 = arith.constant 176 : index
      %swap3A_353 = tpu.vector_load %arg14[%swap3A_351, %swap3A_352] {strides = array<i32>} : memref<128x256xf32, #tpu.memory_space<vmem>>, vector<16xf32>,
      tpu.vector_store %arg14[%swap3A_351, %swap3A_352], %scan3A_316#11 {strides = array<i32>} : memref<128x256xf32, #tpu.memory_space<vmem>>, vector<16xf32>,
      %swap3A_354 = arith.index_cast %scan3A_8 : i32 to index
      %swap3A_355 = arith.constant 192 : index
      %swap3A_356 = tpu.vector_load %arg14[%swap3A_354, %swap3A_355] {strides = array<i32>} : memref<128x256xf32, #tpu.memory_space<vmem>>, vector<16xf32>,
      tpu.vector_store %arg14[%swap3A_354, %swap3A_355], %scan3A_316#12 {strides = array<i32>} : memref<128x256xf32, #tpu.memory_space<vmem>>, vector<16xf32>,
      %swap3A_357 = arith.index_cast %scan3A_8 : i32 to index
      %swap3A_358 = arith.constant 208 : index
      %swap3A_359 = tpu.vector_load %arg14[%swap3A_357, %swap3A_358] {strides = array<i32>} : memref<128x256xf32, #tpu.memory_space<vmem>>, vector<16xf32>,
      tpu.vector_store %arg14[%swap3A_357, %swap3A_358], %scan3A_316#13 {strides = array<i32>} : memref<128x256xf32, #tpu.memory_space<vmem>>, vector<16xf32>,
      %swap3A_360 = arith.index_cast %scan3A_8 : i32 to index
      %swap3A_361 = arith.constant 224 : index
      %swap3A_362 = tpu.vector_load %arg14[%swap3A_360, %swap3A_361] {strides = array<i32>} : memref<128x256xf32, #tpu.memory_space<vmem>>, vector<16xf32>,
      tpu.vector_store %arg14[%swap3A_360, %swap3A_361], %scan3A_316#14 {strides = array<i32>} : memref<128x256xf32, #tpu.memory_space<vmem>>, vector<16xf32>,
      %swap3A_363 = arith.index_cast %scan3A_8 : i32 to index
      %swap3A_364 = arith.constant 240 : index
      %swap3A_365 = tpu.vector_load %arg14[%swap3A_363, %swap3A_364] {strides = array<i32>} : memref<128x256xf32, #tpu.memory_space<vmem>>, vector<16xf32>,
      tpu.vector_store %arg14[%swap3A_363, %swap3A_364], %scan3A_316#15 {strides = array<i32>} : memref<128x256xf32, #tpu.memory_space<vmem>>, vector<16xf32>,
    }
    %scan3A_7 = arith.constant 128 : i32
    "tpu.region"() ({
      %run_scoped3A = tpu.sem_alloc : memref<!tpu.dma_semaphore, #tpu.memory_space<semaphore_mem>>
      %dma_start3A = arith.constant 0 : i32
      %dma_start3A_8 = tpu.memref_slice %arg7[%mul3A_2, %dma_start3A] : memref<4096x256xf32, #tpu.memory_space<hbm>> -> memref<128x256xf32, #tpu.memory_space<hbm>>
      %dma_start3A_9 = arith.constant 0 : i32
      %dma_start3A_10 = tpu.memref_slice %arg7[%mul3A_2, %dma_start3A_9] : memref<4096x256xf32, #tpu.memory_space<hbm>> -> memref<128x256xf32, #tpu.memory_space<hbm>>
      tpu.enqueue_dma source(%arg14 : memref<128x256xf32, #tpu.memory_space<vmem>>) target(%dma_start3A_10 : memref<128x256xf32, #tpu.memory_space<hbm>>) target_semaphore(%run_scoped3A : memref<!tpu.dma_semaphore, #tpu.memory_space<semaphore_mem>>)
      %dma_wait3A = arith.constant 0 : i32
      %dma_wait3A_11 = tpu.memref_slice %arg7[%mul3A_2, %dma_wait3A] : memref<4096x256xf32, #tpu.memory_space<hbm>> -> memref<128x256xf32, #tpu.memory_space<hbm>>
      %dma_wait3A_12 = arith.constant 0 : i32
      %dma_wait3A_13 = tpu.memref_slice %arg7[%mul3A_2, %dma_wait3A_12] : memref<4096x256xf32, #tpu.memory_space<hbm>> -> memref<128x256xf32, #tpu.memory_space<hbm>>
      tpu.wait_dma2 semaphore(%run_scoped3A : memref<!tpu.dma_semaphore, #tpu.memory_space<semaphore_mem>>) src(%arg14 : memref<128x256xf32, #tpu.memory_space<vmem>>) dst(%dma_wait3A_13 : memref<128x256xf32, #tpu.memory_space<hbm>>)
      tpu.yield
    }) : () -> ()
    return
  }
}

</mosaic_0001>

<sc_bundles>
// kernel: kernel.3.cloned.1.call-start
scs
__scs_entry_jumppad:
0x0: {  	(pc) =	sbr.rel $0x88, $3  }
0x1: {  	(tag) =	ssettag $0x0;
	lr =	simm.s32 $0x1  }
0x2: {  	[smem:$0x3F9C] =	sst lr;
	_ =	strace $0xD0000000  }
0x3: {  	_ = 	snop  }
0x4: {  	_ = 	snop  }
0x5: {  	_ = 	snop  }
0x6: {  	_ = 	snop  }
0x7: {  	_ = 	snop  }
__scs_overlays_trampoline_lowered:
0x8: {  	[smem:$0x3FAB] =	sst s0  }
0x9: {  	[smem:$0x3FAC] =	sst s1  }
0xa: {  	[smem:$0x3FAD] =	sst s2  }
0xb: {  	[smem:$0x3FAE] =	sst s3  }
0xc: {  	[smem:$0x3FAF] =	sst s4  }
0xd: {  	[smem:$0x3FB0] =	sst s5  }
0xe: {  	[smem:$0x3FB1] =	sst s6  }
0xf: {  	[smem:$0x3FB2] =	sst s7  }
0x10: {  	[smem:$0x3FB3] =	sst s8  }
0x11: {  	[smem:$0x3FB4] =	sst s9;
	s0 =	simm.s32 @!p0 $0x0  }
0x12: {  	s1 =	sld [smem:$0x3F9A];
	s0 =	simm.s32 @p0 $0x1  }
0x13: {  	[smem:$0x3FB5] =	sst s0;
	s0 =	simm.s32 @!p1 $0x0  }
0x14: {  	s2 =	sld [smem:$0x3F99];
	s0 =	simm.s32 @p1 $0x1  }
0x15: {  	[smem:$0x3FB6] =	sst s0;
	s0 =	simm.s32 @!p2 $0x0  }
0x16: {  	s3 =	sld [smem:$0x3FDB];
	s0 =	simm.s32 @p2 $0x1  }
0x17: {  	s4 =	simm.s32 $0x1BF5;
	[smem:$0x3FB8] =	sst s0  }
0x18: {  	s0 =	sld [smem:$0x3F9B];
	_ =	swait.ge [sflag:s4], $0x0  }
0x19: {  	s7 =	sld [smem:$0x3F9C]  }
0x1a: {  	s8 =	sadd.s32 $0xFFFFE003, lr  }
0x1b: {  	s9 =	sadd.s32 $0xFFFFFEF7, lr;
	s5 =	simm.s32 $0xFFFFFFFF;
	p2 =	slt.u32 s8, $0xFFFFF086  }
0x1c: {  	p1 =	slt.u32 s9, $0xF7A;
	s5 =	simm.s32 @!p2 $0x0  }
0x1d: {  	s5 =	simm.s32 @p1 $0x1;
	p0 =	seq.s32 s7, s2  }
0x1e: {  	s7 =	smul.u32 @!p0 $0xF7A, s2;
	p2 =	seq.s32 @!p0 s5, $0x0  }
0x1f: {  	s9 =	smul.u32 $0xF7A, s1;
	s8 =	simm.s32 @!p0 $0x1BF5;
	p2 =	por !p2, p0  }
0x20: {  	[sflag:s8] =	ssyncset.s32 @!p0 $0xFFFFF086;
	s6 =	sadd.s32 @!p0 s3, s7;
	s7 =	simm.s32 @!p0 $0x108  }
0x21: {  	s3 =	sadd.s32 s3, s9;
	s6 =	sadd.s32 @!p0 $0x88, s6;
	s7 =	simm.s32 @p2 $0x1082  }
0x22: {  	[simem:s7], [sflag:s8] =	dma.local @!p0 [hbm:s6], $0xF7A  }
0x23: {  	s9 =	sor.u32 $0xD0000000, s2;
	s6 =	simm.s32 $0x108;
	_ =	swait.ge @!p0 [sflag:s8], $0x0  }
0x24: {  	s3 =	sadd.s32 $0x88, s3;
	s6 =	simm.s32 @!p1 $0x1082;
	[sflag:s4] =	ssyncset.s32 $0xFFFFF086  }
0x25: {  	[simem:s6], [sflag:s4] =	dma.local [hbm:s3], $0xF7A  }
0x26: {  	[smem:$0x3F9C] =	sst s1;
	(tag) =	ssettag s2;
	_ =	strace s9  }
0x27: {  	s1 =	sld [smem:$0x3FAC]  }
0x28: {  	s2 =	sld [smem:$0x3FAD]  }
0x29: {  	s4 =	sld [smem:$0x3FAF]  }
0x2a: {  	p0 =	seq.s32 s5, $0x0;
	s5 =	sld [smem:$0x3FB0]  }
0x2b: {  	s6 =	sld [smem:$0x3FB1]  }
0x2c: {  	s7 =	sld [smem:$0x3FB2]  }
0x2d: {  	s3 =	simm.s32 $0x108;
	s8 =	sld [smem:$0x3FB3]  }
0x2e: {  	s3 =	simm.s32 @!p0 $0x1082;
	s9 =	sld [smem:$0x3FB4]  }
0x2f: {  	lr =	sadd.s32 s0, s3;
	s0 =	sld [smem:$0x3FAB]  }
0x30: {  	s3 =	sld [smem:$0x3FAE]  }
0x31: {  	[smem:$0x3FB7] =	sst s10  }
0x32: {  	s10 =	sld [smem:$0x3FB5];
	_ =	sdelay $0x3  }
0x33: {  	p0 =	seq.s32 s10, $0x1;
	s10 =	sld [smem:$0x3FB7];
	_ =	sdelay $0x3  }
0x34: {  	[smem:$0x3FB7] =	sst s10  }
0x35: {  	s10 =	sld [smem:$0x3FB6];
	_ =	sdelay $0x3  }
0x36: {  	p1 =	seq.s32 s10, $0x1;
	s10 =	sld [smem:$0x3FB7];
	_ =	sdelay $0x3  }
0x37: {  	[smem:$0x3FB7] =	sst s10  }
0x38: {  	s10 =	sld [smem:$0x3FB8]  }
0x39: {  	_ = 	snop;
	(pc) =	sbr.ind lr, $3  }
0x3a: {  	_ = 	snop  }
0x3b: {  	_ = 	snop  }
0x3c: {  	p2 =	seq.s32 s10, $0x1;
	s10 =	sld [smem:$0x3FB7]  }
0x3d: {  	_ =	shalt  }
0x3e: {  	_ =	shalt  }
0x3f: {  	_ =	shalt  }
0x40: {  	_ =	shalt  }
0x41: {  	_ =	shalt  }
0x42: {  	_ =	shalt  }
0x43: {  	_ =	shalt  }
0x44: {  	_ =	shalt  }
0x45: {  	_ =	shalt  }
0x46: {  	_ =	shalt  }
0x47: {  	_ =	shalt  }
0x48: {  	_ =	shalt  }
0x49: {  	_ =	shalt  }
0x4a: {  	_ =	shalt  }
0x4b: {  	_ =	shalt  }
0x4c: {  	_ =	shalt  }
0x4d: {  	_ =	shalt  }
0x4e: {  	_ =	shalt  }
0x4f: {  	_ =	shalt  }
0x50: {  	_ =	shalt  }
0x51: {  	_ =	shalt  }
0x52: {  	_ =	shalt  }
0x53: {  	_ =	shalt  }
0x54: {  	_ =	shalt  }
0x55: {  	_ =	shalt  }
0x56: {  	_ =	shalt  }
0x57: {  	_ =	shalt  }
0x58: {  	_ =	shalt  }
0x59: {  	_ =	shalt  }
0x5a: {  	_ =	shalt  }
0x5b: {  	_ =	shalt  }
0x5c: {  	_ =	shalt  }
0x5d: {  	_ =	shalt  }
0x5e: {  	_ =	shalt  }
0x5f: {  	_ =	shalt  }
0x60: {  	_ =	shalt  }
0x61: {  	_ =	shalt  }
0x62: {  	_ =	shalt  }
0x63: {  	_ =	shalt  }
0x64: {  	_ =	shalt  }
0x65: {  	_ =	shalt  }
0x66: {  	_ =	shalt  }
0x67: {  	_ =	shalt  }
0x68: {  	_ =	shalt  }
0x69: {  	_ =	shalt  }
0x6a: {  	_ =	shalt  }
0x6b: {  	_ =	shalt  }
0x6c: {  	_ =	shalt  }
0x6d: {  	_ =	shalt  }
0x6e: {  	_ =	shalt  }
0x6f: {  	_ =	shalt  }
0x70: {  	_ =	shalt  }
0x71: {  	_ =	shalt  }
0x72: {  	_ =	shalt  }
0x73: {  	_ =	shalt  }
0x74: {  	_ =	shalt  }
0x75: {  	_ =	shalt  }
0x76: {  	_ =	shalt  }
0x77: {  	_ =	shalt  }
0x78: {  	_ =	shalt  }
0x79: {  	_ =	shalt  }
0x7a: {  	_ =	shalt  }
0x7b: {  	_ =	shalt  }
0x7c: {  	_ =	shalt  }
0x7d: {  	_ =	shalt  }
0x7e: {  	_ =	shalt  }
0x7f: {  	_ =	shalt  }
0x80: {  	_ =	shalt  }
0x81: {  	_ =	shalt  }
0x82: {  	_ =	shalt  }
0x83: {  	_ =	shalt  }
0x84: {  	_ =	shalt  }
0x85: {  	_ =	shalt  }
0x86: {  	_ =	shalt  }
0x87: {  	_ =	shalt  }
.Lfunc_end0:
.L_simem_size_0:
called_computation.1_lowered:
.L_overlay_start_0:
0x88: {  	s2 =	sld [smem:$0x3FD9]  }
0x89: {  	s3 =	sld [smem:$0x3FFE];
	_ =	sdelay $0x1  }
0x8a: {  	s1 =	srdreg.scid  }
0x8b: {  	s0 =	sand.u32 $0x1, s1  }
0x8c: {  	s17 =	sshll.u32 s0, $0xA;
	s2 =	sadd.s32 s3, s2  }
0x8d: {  	s2 =	sadd.s32 s2, s17  }
0x8e: {  	[smem:$0x3FC3] =	sst s2  }
0x8f: {  	_ = 	snop  }
0x90: {  	s2 =	sld [smem:$0x3FC9]  }
0x91: {  	s18 =	sld [smem:$0x3FC6]  }
0x92: {  	s4 =	sld [smem:$0x3FD0];
	(tm) =	ssettm $0x1  }
0x93: {  	s5 =	sld [smem:$0x3FFB];
	_ =	sdelay $0x3  }
0x94: {  	_ =	strace s5  }
0x95: {  	s5 =	sld [smem:$0x3FFC];
	_ =	sdelay $0x3  }
0x96: {  	_ =	strace s5  }
0x97: {  	s5 =	sld [smem:$0x3FFD];
	_ =	sdelay $0x3  }
0x98: {  	_ =	strace s5  }
0x99: {  	_ =	strace $0x8FFFFFFF  }
0x9a: {  	s19 =	sld [smem:$0x3FDB];
	_ =	sdelay $0x1  }
0x9b: {  	s6 =	simm.s32 $_scs_section_size  }
0x9c: {  	s7 =	simm.s32 $_size__tile_overlayer_lowered;
	s8 =	simm.s32 $_tile_overlayer_lowered  }
0x9d: {  	s22 =	simm.s32 $0x1BFF;
	s21 =	sshll.u32 s8, $0x1;
	s5 =	sadd.s32 s6, s19  }
0x9e: {  	s9 =	simm.s32 $0x0;
	s20 =	sshll.u32 s7, $0x1;
	s7 =	sadd.s32 s21, s5  }
0x9f: {  	[timem:s9], [sflag:s22] =	dma.local [hbm:s7], s20  }
0xa0: {  	_ =	swait.ge [sflag:s22], s20  }
0xa1: {  	s6 =	ssub.s32 $0x0, s20;
	[sflag:s22] =	ssyncset.done $0x0  }
0xa2: {  	[sflag:s22] =	ssyncadd.s32 s6;
	_ =	sdelay $0x1  }
0xa3: {  	s23 =	simm.s32 $0x1B8B  }
0xa4: {  	_ =	swait.ge [sflag:s23], $0x1  }
0xa5: {  	[sflag:s23] =	ssyncset.done $0x0  }
0xa6: {  	s25 =	simm.s32 $0x1B8E;
	s24 =	sld [smem:$0x3FFE];
	[sflag:s23] =	ssyncadd.s32 $0xFFFFFFFF  }
0xa7: {  	s26 =	simm.s32 $execute0_lowered;
	[smem:$0x3FD2] =	sst s25  }
0xa8: {  	s7 =	sshll.u32 s26, $0x1;
	_ =	strace $0x80000049;
	[dreg:$0x1] =	wrdreg $0xFFFFFFFF  }
0xa9: {  	s28 =	simm.s32 $_size_execute0_lowered;
	s5 =	sadd.s32 s5, s7;
	[dreg:$0x0] =	wrdreg $0x0  }
0xaa: {  	s7 =	sshll.u32 s28, $0x1;
	[dreg:$0x2] =	wrdreg s5  }
0xab: {  	[dreg:$0x3] =	wrdreg s7  }
0xac: {  	[dreg:$0x4] =	wrdreg $0xC0  }
0xad: {  	_ =	task [dreg:s9], $0x5FFFF  }
0xae: {  	[dreg:$0x1] =	wrdreg $0xFFFFFFFF  }
0xaf: {  	[dreg:$0x0] =	wrdreg $0x60  }
0xb0: {  	[dreg:$0x2] =	wrdreg s2  }
0xb1: {  	[dreg:$0x3] =	wrdreg s4  }
0xb2: {  	[dreg:$0x4] =	wrdreg s24  }
0xb3: {  	[dreg:$0x5] =	wrdreg s18  }
0xb4: {  	[dreg:$0x6] =	wrdreg $0x9  }
0xb5: {  	_ =	task.clear_ibuf [dreg:s9], $0x7FFFF;
	_ =	strace $0x90000049  }
0xb6: {  	s29 =	simm.s32 $0x9;
	_ =	strace $0x8000004B  }
0xb7: {  	_ =	swait.ge [sflag:s29], $0x1  }
0xb8: {  	[sflag:s29] =	ssyncadd.s32 $0xFFFFFFFF  }
0xb9: {  	_ =	strace $0x9000004B  }
0xba: {  	_ =	sfence  }
0xbb: {  	s30 =	sld [smem:$0x0];
	_ =	sdelay $0x2  }
0xbc: {  	s31 =	sshll.u32 s1, $0xD;
	s1 =	sshrl.u32 s1, $0x2  }
0xbd: {  	s3 =	sand.u32 $0x4000, s31;
	s1 =	sadd.s32 s1, s30  }
0xbe: {  	s0 =	sor.u32 s3, s0;
	s1 =	sshll.u32 s1, $0x11  }
0xbf: {  	s0 =	sor.u32 s1, s0  }
0xc0: {  	s0 =	sadd.s32 $0x8F2B, s0  }
0xc1: {  	[sflag:s0] =	ssyncadd.remote.s32 $0x1  }
0xc2: {  	_ =	sfence.sel $0xFFFF  }
0xc3: {  	[dreg:$0x0] =	wrdreg $0xFFFFFFFF;
	(pc) =	sbr.abs _section_cstart, $3  }
0xc4: {  	[dreg:$0x1] =	wrdreg $0xFFFFFFFF  }
0xc5: {  	_ =	task.clear_ibuf [dreg:s9], $0x2FFFF;
	_ =	strace $0x9FFFFFFF  }
0xc6: {  	(tm) =	ssettm $0x7FFFFFFF  }
0xc7: {  	_ =	shalt  }
tec
execute0_lowered:
.L_overlay_start_1:
0x0: {  	(tag) =	ssettag $0x1  }
0x1: {  	s5 =	rddreg [dreg:$0x0]  }
0x2: {  	s6 =	rddreg [dreg:$0x1]  }
0x3: {  	s7 =	rddreg [dreg:$0x2]  }
0x4: {  	s2 =	rddreg [dreg:$0x3]  }
0x5: {  	s3 =	srdreg.scid;
	s0 =	rddreg [dreg:$0x4]  }
0x6: {  	s1 =	stileid.u32;
	s14 =	simm.s32 $0x8000;
	s15 =	simm.s32 $0xA000  }
0x7: {  	s16 =	simm.s32 $0x1;
	s17 =	simm.s32 $0x2;
	s18 =	simm.s32 $0xE000  }
0x8: {  	s19 =	simm.s32 $0xE040;
	s20 =	simm.s32 $0x0;
	s8 =	sand.u32 $0x1, s3  }
0x9: {  	s3 =	simm.s32 $0x0;
	s4 =	sshll.u32 s1, $0x8;
	s9 =	sshll.u32 s8, $0x7  }
0xa: {  	[smem:$0x7FF] =	sst s3;
	s8 =	ssub.s32 $0x2, s8;
	s9 =	sor.u32 s9, s4  }
0xb: {  	_ =	strace $0x8000004A;
	s4 =	sadd.s32 $0xC00, s7;
	s13 =	sshrl.u32 s8, $0x1  }
0xc: {  	s10 =	sshll.u32 s9, $0x3;
	s12 =	sshll.u32 s9, $0x5;
	s9 =	sshll.u32 s9, $0x4  }
0xd: {  	v0 =	vlaneseq.u32;
	s13 =	ssub.s32 s8, s13;
	s11 =	sadd.s32 s10, s7;
	s12 =	sadd.s32 s12, s7  }
0xe: {  	v0 =	vmul.u32 $0x80, v0;
	s5 =	sadd.s32 s5, s9;
	s6 =	sadd.s32 s6, s10;
	s9 =	smax.u32 s13, $0x1  }
0xf: {  	s10 =	simm.s32 $0x3;
	s13 =	simm.s32 $0x40;
	s7 =	sadd.s32 $0x30E000, s11  }
0x10: {  	v1 =	vor.u32 $0x800, v0;
	v2 =	vor.u32 $0x1000, v0;
	v3 =	vor.u32 $0x1800, v0;
	s8 =	sadd.s32 $0x316000, s12;
	s11 =	simm.s32 $0x4000;
	s12 =	simm.s32 $0x6000  }
.LBB2_1:
0x11: {  	[tilespmem:s3], [sflag:$0x3] =	stream.linear.gather [hbm4b:s5+s3], $0x4000, $0x38;
	[tilespmem:$0x16040] =	vst v63  }
0x12: {  	_ =	swait.ge [sflag:s10], $0x4000  }
0x13: {  	[sflag:s10] =	ssyncset.done $0x0  }
0x14: {  	[sflag:s10] =	ssyncadd.s32 $0xFFFFC000  }
0x15: {  	[tilespmem:s11], [sflag:$0x3] =	stream.linear.gather [hbm4b:s6+s3], $0x2000, $0x38;
	[tilespmem:$0x16040] =	vst v63  }
0x16: {  	_ =	swait.ge [sflag:s10], $0x2000  }
0x17: {  	[sflag:s10] =	ssyncset.done $0x0  }
0x18: {  	[sflag:s10] =	ssyncadd.s32 $0xFFFFE000  }
0x19: {  	[tilespmem:s12], [sflag:$0x3] =	stream.linear.gather [hbm4b:s7+s3], $0x2000, $0x38;
	[tilespmem:$0x16040] =	vst v63  }
0x1a: {  	_ =	swait.ge [sflag:s10], $0x2000  }
0x1b: {  	[sflag:s10] =	ssyncset.done $0x0  }
0x1c: {  	s21 =	simm.s32 $0x0;
	[sflag:s10] =	ssyncadd.s32 $0xFFFFE000  }
.LBB2_2:
0x1d: {  	s22 =	sshll.u32 s21, $0x6  }
0x1e: {  	s23 =	simm.s32 $0x0;
	s24 =	sadd.s32 $0x4000, s22  }
0x1f: {  	v4 =	vmov s23;
	[tilespmem:s14], [sflag:$0x1] =	stream.indirect.gather [hbm4b:s2+s13], $0x80, s24, s13, $0xb8;
	[tilespmem:$0x16040] =	vst v63  }
0x20: {  	s23 =	sshll.u32 s21, $0x7;
	v4 =	vand.u32 $0x7F, v4  }
0x21: {  	v12 =	vmov s23;
	v6 =	vbroadcast v4, $0x0;
	[tilespmem:s15], [sflag:$0x2] =	stream.indirect.gather [hbm4b:s4+s13], $0x100, s24, s13, $0xb8;
	[tilespmem:$0x16040] =	vst v63  }
0x22: {  	v4 =	vor.u32 v12, v4;
	_ =	swait.ge [sflag:s16], $0x2000  }
0x23: {  	v4 =	vbroadcast v4, $0x0;
	v5 =	vor.u32 v3, v6;
	[sflag:s16] =	ssyncset.done $0x0  }
0x24: {  	[sflag:s16] =	ssyncadd.s32 $0xFFFFE000  }
0x25: {  	v7 =	vor.u32 v0, v6;
	_ =	swait.ge [sflag:s17], $0x4000  }
0x26: {  	v8 =	vor.u32 v1, v6;
	[sflag:s17] =	ssyncset.done $0x0  }
0x27: {  	s30 =	simm.s32 $0x1;
	[sflag:s17] =	ssyncadd.s32 $0xFFFFC000  }
0x28: {  	v6 =	vor.u32 v2, v6;
	v9 =	vld.idx.msk [tilespmem:v5+s14+$0x0], $0xffff;
	v5 =	vmov s30  }
0x29: {  	v14 =	vld.idx.msk [tilespmem:v4+s3+$0x0], $0xffff;
	v4 =	vand.u32 $0x7F, v5  }
0x2a: {  	v7 =	vld.idx.msk [tilespmem:v7+s14+$0x0], $0xffff;
	v10 =	vbroadcast v4, $0x0  }
0x2b: {  	s31 =	simm.s32 $0x2;
	v20 =	vimm.f32 $0.0e+00;
	v17 =	vimm.f32 $0.0e+00;
	v8 =	vld.idx.msk [tilespmem:v8+s14+$0x0], $0xffff;
	v4 =	vor.u32 v12, v4  }
0x2c: {  	v25 =	vmov s31;
	v19 =	vbroadcast v4, $0x0;
	v16 =	vor.u32 v3, v10  }
0x2d: {  	v24 =	vld.idx.msk [tilespmem:v6+s14+$0x0], $0xffff;
	v6 =	vimm.f32 $0.0e+00;
	v5 =	vimm.f32 $0.0e+00;
	v21 =	vor.u32 v0, v10  }
0x2e: {  	v15 =	vor.u32 v1, v10;
	v11 =	vmul.f32 v9, v9;
	v4 =	vmul.f32 v9, v14  }
0x2f: {  	v13 =	vor.u32 v2, v10;
	v9 =	vmul.f32 v7, v14;
	v23 =	vmul.f32 v7, v7  }
0x30: {  	v10 =	vmul.f32 v8, v14;
	v22 =	vmul.f32 v8, v8;
	v7 =	vimm.f32 $0.0e+00  }
0x31: {  	s24 =	simm.s32 $0x3;
	v8 =	vimm.f32 $0.0e+00;
	v11 =	vadd.f32 v11, v5;
	v18 =	vld.idx.msk [tilespmem:v16+s14+$0x0], $0xffff;
	v16 =	vimm.f32 $0.0e+00  }
.LBB2_3:
0x32: {  	p0 =	sne.s32 s24, $0x7F;
	v25 =	vand.u32 $0x7F, v25;
	v26 =	vmul.f32 v24, v14;
	v14 =	vld.idx.msk [tilespmem:v19+s3+$0x0], $0xffff;
	v27 =	vmul.f32 v24, v24  }
0x33: {  	v5 =	vadd.f32 v9, v5;
	v28 =	vbroadcast v25, $0x0;
	v19 =	vor.u32 v12, v25;
	v25 =	vld.idx.msk [tilespmem:v21+s14+$0x0], $0xffff  }
0x34: {  	v20 =	vadd.f32 v23, v20;
	v7 =	vadd.f32 v10, v7;
	v19 =	vbroadcast v19, $0x0;
	v29 =	vld.idx.msk [tilespmem:v15+s14+$0x0], $0xffff  }
0x35: {  	v21 =	vor.u32 v0, v28;
	v15 =	vor.u32 v1, v28;
	v10 =	vor.u32 v3, v28;
	v24 =	vld.idx.msk [tilespmem:v13+s14+$0x0], $0xffff  }
.Ltmp0:
0x36: {  	v17 =	vadd.f32 v22, v17;
	v8 =	vadd.f32 v26, v8;
	v13 =	vor.u32 v2, v28;
	(pc) =	sbr.rel @p0 .LBB2_3-.Ltmp0, $4  }
0x37: {  	v6 =	vadd.f32 v4, v6;
	v16 =	vadd.f32 v27, v16;
	v22 =	vmul.f32 v18, v18  }
0x38: {  	v4 =	vmul.f32 v18, v14  }
0x39: {  	v9 =	vmul.f32 v25, v14;
	v23 =	vmul.f32 v25, v25;
	v11 =	vadd.f32 v22, v11  }
0x3a: {  	v25 =	vmov s24;
	s24 =	sadd.s32 $0x1, s24;
	v22 =	vmul.f32 v29, v29;
	v18 =	vld.idx.msk [tilespmem:v10+s14+$0x0], $0xffff;
	v10 =	vmul.f32 v29, v14  }
0x3b: {  	s23 =	sand.u32 $0x3FFFFF80, s23  }
0x3c: {  	v26 =	vld [tilespmem:s23+$0x0]  }
0x3d: {  	v27 =	vld [tilespmem:s23+$0x10];
	_ =	sdelay $0x1  }
0x3e: {  	v28 =	vld [tilespmem:s23+$0x20];
	_ =	sdelay $0x1  }
0x3f: {  	v29 =	vld [tilespmem:s23+$0x30]  }
0x40: {  	v26 =	vmul.f32 v26, v26;
	v27 =	vmul.f32 v27, v27  }
0x41: {  	v30 =	vld [tilespmem:s23+$0x40]  }
0x42: {  	v26 =	vadd.f32 v27, v26;
	v27 =	vmul.f32 v28, v28  }
0x43: {  	v28 =	vld [tilespmem:s23+$0x50]  }
0x44: {  	v26 =	vadd.f32 v27, v26;
	v27 =	vmul.f32 v29, v29  }
0x45: {  	v29 =	vld [tilespmem:s23+$0x60]  }
0x46: {  	v26 =	vadd.f32 v27, v26;
	v27 =	vmul.f32 v30, v30  }
0x47: {  	v30 =	vld [tilespmem:s23+$0x70]  }
0x48: {  	v26 =	vadd.f32 v27, v26;
	v27 =	vmul.f32 v28, v28;
	_ =	sdelay $0x1  }
0x49: {  	v26 =	vadd.f32 v27, v26;
	v27 =	vmul.f32 v29, v29;
	_ =	sdelay $0x1  }
0x4a: {  	v26 =	vadd.f32 v27, v26;
	v27 =	vmul.f32 v30, v30;
	_ =	sdelay $0x1  }
0x4b: {  	v25 =	vand.u32 $0x7F, v25;
	v26 =	vadd.f32 v27, v26  }
0x4c: {  	v27 =	vbroadcast v25, $0x0  }
0x4d: {  	(xrf2) =	vadd.scan.msk.f32 $0xffff, v26  }
0x4e: {  	v26 =	vor.u32 v0, v27;
	_ =	sdelay $0x2  }
0x4f: {  	v21 =	vld.idx.msk [tilespmem:v21+s14+$0x0], $0xffff;
	_ =	sdelay $0x1  }
0x50: {  	v26 =	vld.idx.msk [tilespmem:v26+s14+$0x0], $0xffff  }
0x51: {  	v28 =	vor.u32 v1, v27  }
0x52: {  	v14 =	vmul.f32 v24, v14;
	v19 =	vld.idx.msk [tilespmem:v19+s3+$0x0], $0xffff;
	v20 =	vadd.f32 v23, v20;
	v12 =	vor.u32 v12, v25  }
0x53: {  	v13 =	vld.idx.msk [tilespmem:v13+s14+$0x0], $0xffff;
	v23 =	vmul.f32 v21, v21;
	v29 =	vor.u32 v3, v27;
	v27 =	vor.u32 v2, v27  }
0x54: {  	v24 =	vmul.f32 v24, v24;
	v15 =	vld.idx.msk [tilespmem:v15+s14+$0x0], $0xffff;
	v17 =	vadd.f32 v22, v17;
	v12 =	vbroadcast v12, $0x0;
	v25, _, _ =	vpop (xrf2)  }
0x55: {  	v20 =	vadd.f32 v23, v20;
	v23 =	vmul.f32 v26, v26;
	v25 =	vmax.f32 v25, $1.000000020e-24  }
0x56: {  	v16 =	vadd.f32 v24, v16;
	v22 =	vmul.f32 v18, v18;
	v28 =	vld.idx.msk [tilespmem:v28+s14+$0x0], $0xffff;
	v25 =	vbroadcast v25, $0xF  }
0x57: {  	v18 =	vmul.f32 v18, v19;
	v21 =	vmul.f32 v21, v19;
	v20 =	vadd.f32 v23, v20  }
0x58: {  	v32 =	vmul.f32 v13, v13;
	v24 =	vld.idx.msk [tilespmem:v27+s14+$0x0], $0xffff;
	v23 =	vshra.s32 v25, $0x1;
	v25 =	vmul.f32 $5.000000000e-01, v25  }
0x59: {  	v30 =	vmul.f32 v15, v15;
	v20 =	vmax.f32 v20, $1.000000020e-24;
	v23 =	vsub.s32 $0x5F3759DF, v23  }
0x5a: {  	v29 =	vld.idx.msk [tilespmem:v29+s14+$0x0], $0xffff;
	v31 =	vshra.s32 v20, $0x1;
	v20 =	vmul.f32 $5.000000000e-01, v20;
	v27 =	vmul.f32 v23, v25  }
0x5b: {  	v17 =	vadd.f32 v30, v17;
	v30 =	vmul.f32 v28, v28;
	v31 =	vsub.s32 $0x5F3759DF, v31  }
0x5c: {  	v33 =	vmul.f32 v31, v20;
	v27 =	vmul.f32 v23, v27  }
0x5d: {  	v13 =	vmul.f32 v13, v19;
	v16 =	vadd.f32 v32, v16;
	v59 =	vmul.f32 v24, v24  }
0x5e: {  	v17 =	vadd.f32 v30, v17;
	v30 =	vmul.f32 v31, v33;
	v27 =	vsub.f32 $1.500000000e+00, v27  }
0x5f: {  	v11 =	vadd.f32 v22, v11;
	v22 =	vmul.f32 v29, v29;
	v16 =	vadd.f32 v59, v16  }
0x60: {  	v17 =	vmax.f32 v17, $1.000000020e-24;
	v23 =	vmul.f32 v23, v27;
	v27 =	vsub.f32 $1.500000000e+00, v30  }
0x61: {  	v11 =	vadd.f32 v22, v11;
	v60 =	vshra.s32 v17, $0x1;
	v17 =	vmul.f32 $5.000000000e-01, v17  }
0x62: {  	v16 =	vmax.f32 v16, $1.000000020e-24;
	v22 =	vmul.f32 v31, v27;
	v27 =	vsub.s32 $0x5F3759DF, v60  }
0x63: {  	v11 =	vmax.f32 v11, $1.000000020e-24;
	v62 =	vshra.s32 v16, $0x1;
	v31 =	vmul.f32 v27, v17  }
0x64: {  	v16 =	vmul.f32 $5.000000000e-01, v16;
	v35 =	vshra.s32 v11, $0x1;
	v11 =	vmul.f32 $5.000000000e-01, v11  }
0x65: {  	v33 =	vsub.s32 $0x5F3759DF, v62;
	v30 =	vmul.f32 v23, v25;
	v31 =	vmul.f32 v27, v31  }
0x66: {  	v35 =	vsub.s32 $0x5F3759DF, v35;
	v34 =	vmul.f32 v33, v16;
	v61 =	vmul.f32 v22, v20  }
0x67: {  	v36 =	vmul.f32 v35, v11;
	v30 =	vmul.f32 v30, v23;
	v31 =	vsub.f32 $1.500000000e+00, v31  }
0x68: {  	v12 =	vld.idx.msk [tilespmem:v12+s3+$0x0], $0xffff;
	v34 =	vmul.f32 v33, v34;
	v32 =	vmul.f32 v61, v22  }
0x69: {  	v15 =	vmul.f32 v15, v19;
	v19 =	vmul.f32 v27, v31;
	v27 =	vsub.f32 $1.500000000e+00, v30  }
0x6a: {  	v63 =	vmul.f32 v35, v36;
	v30 =	vsub.f32 $1.500000000e+00, v32;
	v31 =	vsub.f32 $1.500000000e+00, v34  }
0x6b: {  	v5 =	vadd.f32 v9, v5;
	v9 =	vmul.f32 v27, v23;
	v23 =	vmul.f32 v19, v17  }
0x6c: {  	v22 =	vmul.f32 v30, v22;
	v27 =	vmul.f32 v33, v31;
	v30 =	vsub.f32 $1.500000000e+00, v63  }
0x6d: {  	v7 =	vadd.f32 v10, v7;
	v10 =	vmul.f32 v29, v12;
	v23 =	vmul.f32 v23, v19  }
0x6e: {  	v8 =	vadd.f32 v14, v8;
	v14 =	vmul.f32 v35, v30;
	v29 =	vmul.f32 v27, v16  }
0x6f: {  	v26 =	vmul.f32 v26, v12;
	v25 =	vmul.f32 v9, v25;
	v23 =	vsub.f32 $1.500000000e+00, v23  }
0x70: {  	v4 =	vadd.f32 v4, v6;
	v6 =	vmul.f32 v29, v27;
	v29 =	vmul.f32 v14, v11  }
0x71: {  	v5 =	vadd.f32 v21, v5;
	v20 =	vmul.f32 v22, v20;
	v19 =	vmul.f32 v23, v19  }
0x72: {  	v21 =	vmul.f32 v25, v9;
	v6 =	vsub.f32 $1.500000000e+00, v6;
	v23 =	vmul.f32 v29, v14  }
0x73: {  	v7 =	vadd.f32 v15, v7;
	v15 =	vmul.f32 v20, v22;
	v17 =	vmul.f32 v19, v17  }
0x74: {  	v20 =	vmul.f32 v28, v12;
	v6 =	vmul.f32 v6, v27;
	v23 =	vsub.f32 $1.500000000e+00, v23  }
0x75: {  	v21 =	vsub.f32 $1.500000000e+00, v21;
	v15 =	vsub.f32 $1.500000000e+00, v15;
	v17 =	vmul.f32 v17, v19  }
0x76: {  	v5 =	vadd.f32 v26, v5;
	v16 =	vmul.f32 v6, v16;
	v14 =	vmul.f32 v23, v14  }
0x77: {  	v9 =	vmul.f32 v21, v9;
	v15 =	vmul.f32 v15, v22;
	v17 =	vsub.f32 $1.500000000e+00, v17  }
0x78: {  	v8 =	vadd.f32 v13, v8;
	v13 =	vmul.f32 v16, v6;
	v11 =	vmul.f32 v14, v11  }
0x79: {  	v7 =	vadd.f32 v20, v7;
	v5 =	vmul.f32 v15, v5;
	v15 =	vmul.f32 v17, v19  }
0x7a: {  	v12 =	vmul.f32 v24, v12;
	v13 =	vsub.f32 $1.500000000e+00, v13;
	v11 =	vmul.f32 v11, v14  }
0x7b: {  	v4 =	vadd.f32 v18, v4;
	v5 =	vmul.f32 v9, v5;
	v7 =	vmul.f32 v15, v7  }
0x7c: {  	v8 =	vadd.f32 v12, v8;
	v6 =	vmul.f32 v13, v6;
	v11 =	vsub.f32 $1.500000000e+00, v11  }
0x7d: {  	v5 =	vmul.f32 $1.442695020e+00, v5;
	v7 =	vmul.f32 v9, v7  }
0x7e: {  	v4 =	vadd.f32 v10, v4;
	v6 =	vmul.f32 v6, v8;
	v8 =	vmul.f32 v11, v14  }
0x7f: {  	(erf) = vpow2.f32 v5;
	v5 =	vmul.f32 $1.442695020e+00, v7  }
0x80: {  	v6 =	vmul.f32 v9, v6;
	v4 =	vmul.f32 v8, v4  }
0x81: {  	(erf) = vpow2.f32 v5  }
0x82: {  	v5 =	vmul.f32 $1.442695020e+00, v6;
	v4 =	vmul.f32 v9, v4;
	_ =	sdelay $0x1  }
0x83: {  	(erf) = vpow2.f32 v5;
	v4 =	vmul.f32 $1.442695020e+00, v4;
	_ =	sdelay $0x1  }
0x84: {  	v5 =	vld [tilespmem:s22+$0x6000];
	(erf) = vpow2.f32 v4  }
0x85: {  	v4 =	vld [tilespmem:s22+$0x6010];
	_ =	sdelay $0x1  }
0x86: {  	v6 =	vld [tilespmem:s22+$0x6020]  }
0x87: {  	v7 =	vpop (erf)  }
0x88: {  	v9 =	vld [tilespmem:s22+$0x6030];
	v8 =	vpop (erf)  }
0x89: {  	v5 =	vmul.f32 v7, v5;
	v4 =	vmul.f32 v8, v4  }
0x8a: {  	v7 =	vpop (erf)  }
0x8b: {  	v6 =	vmul.f32 v7, v6;
	v7 =	vadd.f32 v4, v5  }
0x8c: {  	v8 =	vpop (erf)  }
0x8d: {  	v8 =	vmul.f32 v8, v9;
	v7 =	vadd.f32 v7, v6;
	_ =	sdelay $0x1  }
0x8e: {  	v7 =	vadd.f32 v7, v8;
	_ =	sdelay $0x1  }
0x8f: {  	(xrf2) =	vadd.scan.msk.f32 $0xffff, v7;
	_ =	sdelay $0x9  }
0x90: {  	v7, _, _ =	vpop (xrf2)  }
0x91: {  	v7 =	vbroadcast v7, $0xF;
	_ =	sdelay $0x1  }
0x92: {  	(erf) = vrcp.f32 v7;
	_ =	sdelay $0x8  }
0x93: {  	v7 =	vpop (erf)  }
0x94: {  	s30 =	simm.s32 $0x0;
	v5 =	vmul.f32 v7, v5  }
0x95: {  	v9 =	vmov s30;
	v4 =	vmul.f32 v7, v4  }
0x96: {  	[tilespmem:$0xE000] =	vst v5;
	v5 =	vmul.f32 v7, v6  }
0x97: {  	[tilespmem:$0xE010] =	vst v4;
	v4 =	vmul.f32 v7, v8  }
0x98: {  	[tilespmem:$0xE020] =	vst v5  }
0x99: {  	[tilespmem:$0xE030] =	vst v4  }
0x9a: {  	s22 =	simm.s32 $0xA080;
	v5 =	vld.idx.msk [tilespmem:v9+s18+$0x0], $0xffff  }
0x9b: {  	v4 =	vld [tilespmem:s22+$0x70]  }
0x9c: {  	v6 =	vld [tilespmem:s22+$0xFFFFFF80]  }
0x9d: {  	v7 =	vld [tilespmem:s22+$0xFFFFFF90]  }
0x9e: {  	v8 =	vld [tilespmem:s22+$0xFFFFFFA0]  }
0x9f: {  	v12 =	vld [tilespmem:s22+$0xFFFFFFC0]  }
0xa0: {  	s31 =	simm.s32 $0x1;
	v13 =	vld [tilespmem:s22+$0xFFFFFFD0]  }
0xa1: {  	v18 =	vimm.f32 $0.0e+00;
	v20 =	vimm.f32 $0.0e+00;
	v27 =	vmov s31;
	v9 =	vld [tilespmem:s22+$0xFFFFFFB0]  }
0xa2: {  	v16 =	vimm.f32 $0.0e+00;
	v19 =	vimm.f32 $0.0e+00;
	v4 =	vmul.f32 v4, v5  }
0xa3: {  	v17 =	vimm.f32 $0.0e+00;
	v6 =	vmul.f32 v6, v5;
	v7 =	vmul.f32 v7, v5  }
0xa4: {  	v15 =	vimm.f32 $0.0e+00;
	v22 =	vld [tilespmem:s22+$0xFFFFFFE0];
	v8 =	vmul.f32 v8, v5;
	v26 =	vmul.f32 v12, v5  }
0xa5: {  	v25 =	vld [tilespmem:s22+$0xFFFFFFF0];
	v28 =	vmul.f32 v13, v5;
	v13 =	vimm.f32 $0.0e+00;
	v4 =	vadd.f32 v4, v15  }
0xa6: {  	v23 =	vld [tilespmem:s22+$0x0];
	v14 =	vadd.f32 v6, v15;
	v11 =	vadd.f32 v7, v15;
	v6 =	vmul.f32 v9, v5  }
0xa7: {  	v24 =	vld [tilespmem:s22+$0x10];
	v10 =	vadd.f32 v8, v15;
	v9 =	vimm.f32 $0.0e+00;
	v8 =	vimm.f32 $0.0e+00  }
0xa8: {  	s23 =	simm.s32 $0x2;
	v21 =	vld [tilespmem:s22+$0x20];
	v7 =	vimm.f32 $0.0e+00;
	v12 =	vadd.f32 v6, v15;
	v6 =	vimm.f32 $0.0e+00  }
.LBB2_5:
0xa9: {  	p0 =	sne.s32 s23, $0x3F;
	v15 =	vadd.f32 v26, v15;
	v22 =	vmul.f32 v22, v5;
	v26 =	vld [tilespmem:s22+$0x30]  }
0xaa: {  	v19 =	vadd.f32 v28, v19;
	v25 =	vmul.f32 v25, v5;
	v28 =	vld [tilespmem:s22+$0x40]  }
0xab: {  	v20 =	vadd.f32 v22, v20;
	v22 =	vmul.f32 v23, v5;
	v23 =	vld [tilespmem:s22+$0x50]  }
0xac: {  	v18 =	vadd.f32 v25, v18;
	v24 =	vmul.f32 v24, v5;
	v25 =	vld [tilespmem:s22+$0x60]  }
0xad: {  	s22 =	sadd.s32 $0x100, s22;
	v27 =	vld.idx.msk [tilespmem:v27+s18+$0x0], $0xffff;
	v17 =	vadd.f32 v22, v17;
	v21 =	vmul.f32 v21, v5  }
0xae: {  	v22 =	vld [tilespmem:s22+$0x70];
	v16 =	vadd.f32 v24, v16;
	v24 =	vmul.f32 v26, v5  }
0xaf: {  	v26 =	vld [tilespmem:s22+$0xFFFFFF80];
	v13 =	vadd.f32 v21, v13;
	v21 =	vmul.f32 v28, v5  }
0xb0: {  	v28 =	vld [tilespmem:s22+$0xFFFFFF90];
	v9 =	vadd.f32 v24, v9;
	v23 =	vmul.f32 v23, v5  }
0xb1: {  	v24 =	vld [tilespmem:s22+$0xFFFFFFA0];
	v8 =	vadd.f32 v21, v8;
	v25 =	vmul.f32 v25, v5  }
0xb2: {  	v21 =	vld [tilespmem:s22+$0xFFFFFFB0];
	v7 =	vadd.f32 v23, v7  }
0xb3: {  	v5 =	vmov v27;
	v29 =	vld [tilespmem:s22+$0xFFFFFFC0];
	v23 =	vmul.f32 v22, v27;
	v6 =	vadd.f32 v25, v6  }
0xb4: {  	v25 =	vmul.f32 v26, v5;
	v30 =	vld [tilespmem:s22+$0xFFFFFFD0]  }
.Ltmp1:
0xb5: {  	v26 =	vmul.f32 v28, v5;
	v22 =	vld [tilespmem:s22+$0xFFFFFFE0];
	v4 =	vadd.f32 v23, v4;
	(pc) =	sbr.rel @p0 .LBB2_5-.Ltmp1, $4  }
0xb6: {  	v14 =	vadd.f32 v25, v14;
	v24 =	vmul.f32 v24, v5;
	v25 =	vld [tilespmem:s22+$0xFFFFFFF0]  }
0xb7: {  	v11 =	vadd.f32 v26, v11;
	v21 =	vmul.f32 v21, v5;
	v23 =	vld [tilespmem:s22+$0x0]  }
0xb8: {  	v10 =	vadd.f32 v24, v10;
	v26 =	vmul.f32 v29, v5;
	v24 =	vld [tilespmem:s22+$0x10]  }
0xb9: {  	v27 =	vmov s23;
	s23 =	sadd.s32 $0x1, s23;
	v12 =	vadd.f32 v21, v12;
	v28 =	vmul.f32 v30, v5;
	v21 =	vld [tilespmem:s22+$0x20]  }
0xba: {  	v29 =	vld [tilespmem:s22+$0x30]  }
0xbb: {  	v30 =	vld [tilespmem:s22+$0x40]  }
0xbc: {  	v31 =	vld [tilespmem:s22+$0x50]  }
0xbd: {  	v32 =	vld [tilespmem:s22+$0x60]  }
0xbe: {  	v27 =	vld.idx.msk [tilespmem:v27+s18+$0x0], $0xffff;
	s30 =	sadd.s32 $0x100, s22  }
0xbf: {  	v33 =	vld [tilespmem:s30+$0x70]  }
0xc0: {  	v34 =	vld [tilespmem:s30+$0xFFFFFF80]  }
0xc1: {  	v35 =	vld [tilespmem:s30+$0xFFFFFF90]  }
0xc2: {  	v36 =	vld [tilespmem:s30+$0xFFFFFFA0]  }
0xc3: {  	v37 =	vld [tilespmem:s30+$0xFFFFFFB0]  }
0xc4: {  	v38 =	vld [tilespmem:s30+$0xFFFFFFC0]  }
0xc5: {  	v39 =	vld [tilespmem:s30+$0xFFFFFFD0]  }
0xc6: {  	v40 =	vld [tilespmem:s30+$0xFFFFFFE0]  }
0xc7: {  	v41 =	vld [tilespmem:s30+$0xFFFFFFF0]  }
0xc8: {  	v22 =	vmul.f32 v22, v5;
	v42 =	vld [tilespmem:s30+$0x0]  }
0xc9: {  	v15 =	vadd.f32 v26, v15;
	v43 =	vld [tilespmem:s30+$0x10];
	v25 =	vmul.f32 v25, v5  }
0xca: {  	v56 =	vld [tilespmem:s30+$0x20];
	v19 =	vadd.f32 v28, v19;
	v20 =	vadd.f32 v22, v20;
	v57 =	vmul.f32 v34, v27  }
0xcb: {  	v58 =	vld [tilespmem:s30+$0x30];
	v23 =	vmul.f32 v23, v5;
	v18 =	vadd.f32 v25, v18;
	v59 =	vmul.f32 v35, v27  }
0xcc: {  	s23 =	sshll.u32 s21, $0x8;
	v60 =	vld [tilespmem:s30+$0x40];
	v24 =	vmul.f32 v24, v5;
	v61 =	vmul.f32 v36, v27;
	v14 =	vadd.f32 v57, v14  }
0xcd: {  	v62 =	vld [tilespmem:s30+$0x50];
	s31 =	sand.u32 $0x3FFFFF00, s23;
	v45 =	vmul.f32 v21, v5;
	v37 =	vmul.f32 v37, v27;
	v11 =	vadd.f32 v59, v11  }
0xce: {  	v63 =	vld [tilespmem:s30+$0x60];
	v16 =	vadd.f32 v24, v16;
	v46 =	vmul.f32 v39, v27;
	v10 =	vadd.f32 v61, v10;
	[tilespmem:s31+$0xE040] =	vst v14  }
0xcf: {  	v47 =	vmul.f32 v29, v5;
	v48 =	vmul.f32 v40, v27;
	v12 =	vadd.f32 v37, v12;
	[tilespmem:s31+$0xE050] =	vst v11  }
0xd0: {  	v53 =	vmul.f32 v30, v5;
	v54 =	vmul.f32 v43, v27;
	v49 =	vadd.f32 v46, v19;
	[tilespmem:s31+$0xE060] =	vst v10  }
0xd1: {  	v58 =	vmul.f32 v58, v27;
	v9 =	vadd.f32 v47, v9;
	v51 =	vadd.f32 v48, v20;
	[tilespmem:s31+$0xE070] =	vst v12  }
0xd2: {  	v55 =	vmul.f32 v31, v5;
	v44 =	vmul.f32 v38, v27;
	v57 =	vadd.f32 v54, v16;
	[tilespmem:s31+$0xE090] =	vst v49  }
0xd3: {  	v5 =	vmul.f32 v32, v5;
	v50 =	vmul.f32 v41, v27;
	v9 =	vadd.f32 v58, v9;
	[tilespmem:s31+$0xE0A0] =	vst v51  }
0xd4: {  	v8 =	vadd.f32 v53, v8;
	v59 =	vmul.f32 v60, v27;
	v14 =	vadd.f32 v44, v15;
	[tilespmem:s31+$0xE0D0] =	vst v57  }
0xd5: {  	v7 =	vadd.f32 v55, v7;
	v60 =	vmul.f32 v62, v27;
	v12 =	vadd.f32 v50, v18;
	[tilespmem:s31+$0xE0F0] =	vst v9  }
0xd6: {  	v5 =	vadd.f32 v5, v6;
	v62 =	vmul.f32 v63, v27;
	v61 =	vadd.f32 v59, v8;
	[tilespmem:s31+$0xE080] =	vst v14  }
0xd7: {  	s21 =	sadd.s32 $0x1, s21;
	v63 =	vmul.f32 v33, v27;
	v7 =	vadd.f32 v60, v7;
	[tilespmem:s31+$0xE0B0] =	vst v12  }
0xd8: {  	p0 =	sne.s32 s21, $0x80;
	v17 =	vadd.f32 v23, v17;
	v52 =	vmul.f32 v42, v27;
	v5 =	vadd.f32 v62, v5;
	[tilespmem:s31+$0xE100] =	vst v61  }
.Ltmp2:
0xd9: {  	v56 =	vmul.f32 v56, v27;
	v11 =	vadd.f32 v45, v13;
	v4 =	vadd.f32 v63, v4;
	[tilespmem:s31+$0xE110] =	vst v7;
	(pc) =	sbr.rel @p0 .LBB2_2-.Ltmp2, $4  }
0xda: {  	v14 =	vadd.f32 v52, v17;
	[tilespmem:s31+$0xE120] =	vst v5  }
0xdb: {  	v11 =	vadd.f32 v56, v11;
	[tilespmem:s31+$0xE130] =	vst v4  }
0xdc: {  	[tilespmem:s31+$0xE0C0] =	vst v14  }
0xdd: {  	[tilespmem:s31+$0xE0E0] =	vst v11  }
0xde: {  	s20 =	sadd.s32 $0x1, s20  }
0xdf: {  	p0 =	sne.s32 s20, s9  }
.Ltmp3:
0xe0: {  	_ = 	snop;
	(pc) =	sbr.rel @p0 .LBB2_1-.Ltmp3, $4  }
0xe1: {  	[hbm4b:s8+s3] =	stream.linear.scatter [tilespmem:s19], [sflag:$0x3], $0x8000, $0x38;
	[tilespmem:$0x16040] =	vst v63  }
0xe2: {  	_ =	swait.ge [sflag:s10], $0x8000  }
0xe3: {  	[sflag:s10] =	ssyncset.done $0x0  }
0xe4: {  	[sflag:s10] =	ssyncadd.s32 $0xFFFF8000  }
0xe5: {  	_ =	sfence.sel $0x180000  }
0xe6: {  	[bflag:$0x0] =	sbarrier.arrive $0xFFFF  }
0xe7: {  	p0 =	sne.s32 s1, $0x0;
	_ =	strace $0x9000004A  }
0xe8: {  	s0 =	sadd.s32 @!p0 $0x100000, s0;
	[bflag:$0x2] =	sbarrier.arrive $0xFFFF  }
0xe9: {  	[sflag:s0] =	ssyncadd.tile.s32 @!p0 $0x1;
	_ =	shalt  }
.Lfunc_end2:
_tile_overlayer_lowered:
.L_overlay_start_2:
0xea: {  	(tag) =	ssettag $0x2  }
0xeb: {  	s0 =	rddreg [dreg:$0x0];
	s2 =	stileid.u32  }
0xec: {  	s1 =	rddreg [dreg:$0x1];
	p0 =	sne.s32 s2, $0x0  }
0xed: {  	s3 =	rddreg [dreg:$0x2];
	[bflag:$0x3] =	sbarrier.arrive $0xFFFF;
	s2 =	simm.s32 @!p0 $0x1C03  }
0xee: {  	[timem:s3], [sflag:s2] =	dma.local @!p0 [hbm:s0], s1  }
0xef: {  	s0 =	simm.s32 @!p0 $0x3  }
0xf0: {  	_ =	swait.ge @!p0 [sflag:s0], s1  }
0xf1: {  	s1 =	ssub.s32 @!p0 $0x0, s1;
	[sflag:s0] =	ssyncset.done @!p0 $0x0  }
0xf2: {  	[sflag:s0] =	ssyncadd.s32 @!p0 s1  }
0xf3: {  	[bflag:$0x3] =	sbarrier.arrive $0xFFFF  }
0xf4: {  	_ =	shalt  }

// kernel: sparse-core-data-format-call.cloned.1.call-start
scs
called_computation_lowered:
.L_overlay_start_0:
0x0: {  	s2 =	sld [smem:$0x3FD9]  }
0x1: {  	s3 =	sld [smem:$0x3FFE];
	_ =	sdelay $0x1  }
0x2: {  	s1 =	srdreg.scid  }
0x3: {  	s0 =	sand.u32 $0x1, s1  }
0x4: {  	s18 =	sshll.u32 s0, $0xA;
	s2 =	sadd.s32 s3, s2  }
0x5: {  	s2 =	sadd.s32 s2, s18  }
0x6: {  	[smem:$0x3FC3] =	sst s2  }
0x7: {  	_ = 	snop  }
0x8: {  	s2 =	sld [smem:$0x3FC5];
	(tm) =	ssettm $0x1  }
0x9: {  	s19 =	sld [smem:$0x3FFB];
	_ =	sdelay $0x3  }
0xa: {  	_ =	strace s19  }
0xb: {  	s3 =	sld [smem:$0x3FFC];
	_ =	sdelay $0x3  }
0xc: {  	_ =	strace s3  }
0xd: {  	s3 =	sld [smem:$0x3FFD];
	_ =	sdelay $0x3  }
0xe: {  	_ =	strace s3  }
0xf: {  	_ =	strace $0x8FFFFFFF  }
0x10: {  	s20 =	sld [smem:$0x3FDB];
	_ =	sdelay $0x1  }
0x11: {  	s4 =	simm.s32 $_scs_section_size  }
0x12: {  	s5 =	simm.s32 $_size__tile_overlayer_lowered;
	s6 =	simm.s32 $_tile_overlayer_lowered  }
0x13: {  	s23 =	simm.s32 $0x1BFF;
	s22 =	sshll.u32 s6, $0x1;
	s3 =	sadd.s32 s4, s20  }
0x14: {  	s7 =	simm.s32 $0x0;
	s21 =	sshll.u32 s5, $0x1;
	s5 =	sadd.s32 s22, s3  }
0x15: {  	[timem:s7], [sflag:s23] =	dma.local [hbm:s5], s21  }
0x16: {  	_ =	swait.ge [sflag:s23], s21  }
0x17: {  	s4 =	ssub.s32 $0x0, s21;
	[sflag:s23] =	ssyncset.done $0x0  }
0x18: {  	[sflag:s23] =	ssyncadd.s32 s4;
	_ =	sdelay $0x1  }
0x19: {  	s24 =	simm.s32 $0x1B8B  }
0x1a: {  	_ =	swait.ge [sflag:s24], $0x1  }
0x1b: {  	[sflag:s24] =	ssyncset.done $0x0  }
0x1c: {  	s26 =	simm.s32 $0x1B8E;
	s25 =	sld [smem:$0x3FFE];
	[sflag:s24] =	ssyncadd.s32 $0xFFFFFFFF  }
0x1d: {  	s27 =	simm.s32 $execute0_lowered;
	[smem:$0x3FD2] =	sst s26  }
0x1e: {  	s5 =	sshll.u32 s27, $0x1;
	_ =	strace $0x80000046;
	[dreg:$0x1] =	wrdreg $0xFFFFFFFF  }
0x1f: {  	s28 =	simm.s32 $_size_execute0_lowered;
	s3 =	sadd.s32 s3, s5;
	[dreg:$0x0] =	wrdreg $0x0  }
0x20: {  	s5 =	sshll.u32 s28, $0x1;
	[dreg:$0x2] =	wrdreg s3  }
0x21: {  	[dreg:$0x3] =	wrdreg s5  }
0x22: {  	[dreg:$0x4] =	wrdreg $0xC0  }
0x23: {  	_ =	task [dreg:s7], $0x5FFFF  }
0x24: {  	[dreg:$0x1] =	wrdreg $0xFFFFFFFF  }
0x25: {  	[dreg:$0x0] =	wrdreg $0x60  }
0x26: {  	[dreg:$0x2] =	wrdreg s2  }
0x27: {  	[dreg:$0x3] =	wrdreg s25  }
0x28: {  	[dreg:$0x4] =	wrdreg $0x9  }
0x29: {  	_ =	task.clear_ibuf [dreg:s7], $0x5FFFF;
	_ =	strace $0x90000046  }
0x2a: {  	s29 =	simm.s32 $0x9;
	_ =	strace $0x80000048  }
0x2b: {  	_ =	swait.ge [sflag:s29], $0x1  }
0x2c: {  	[sflag:s29] =	ssyncadd.s32 $0xFFFFFFFF  }
0x2d: {  	_ =	strace $0x90000048  }
0x2e: {  	_ =	sfence  }
0x2f: {  	s30 =	sld [smem:$0x0];
	_ =	sdelay $0x2  }
0x30: {  	s31 =	sshll.u32 s1, $0xD;
	s1 =	sshrl.u32 s1, $0x2  }
0x31: {  	s3 =	sand.u32 $0x4000, s31;
	s1 =	sadd.s32 s1, s30  }
0x32: {  	s0 =	sor.u32 s3, s0;
	s1 =	sshll.u32 s1, $0x11  }
0x33: {  	s0 =	sor.u32 s1, s0  }
0x34: {  	s0 =	sadd.s32 $0x8F2B, s0  }
0x35: {  	[sflag:s0] =	ssyncadd.remote.s32 $0x1  }
0x36: {  	_ =	sfence.sel $0xFFFF  }
0x37: {  	[dreg:$0x0] =	wrdreg $0xFFFFFFFF;
	(pc) =	sbr.abs _section_cstart, $3  }
0x38: {  	[dreg:$0x1] =	wrdreg $0xFFFFFFFF  }
0x39: {  	_ =	task.clear_ibuf [dreg:s7], $0x2FFFF;
	_ =	strace $0x9FFFFFFF  }
0x3a: {  	(tm) =	ssettm $0x7FFFFFFF  }
0x3b: {  	_ =	shalt  }
tec
execute0_lowered:
.L_overlay_start_1:
0x0: {  	(tag) =	ssettag $0x1  }
0x1: {  	s0 =	srdreg.scid;
	s2 =	rddreg [dreg:$0x0]  }
0x2: {  	s5 =	rddreg [dreg:$0x1];
	s1 =	stileid.u32  }
0x3: {  	s4 =	simm.s32 $0x1;
	s6 =	simm.s32 $0x2;
	s0 =	sshll.u32 s0, $0x4  }
0x4: {  	s8 =	simm.s32 $0x0;
	s9 =	simm.s32 $0x0;
	s3 =	sand.u32 $0x10, s0  }
.Ltmp0:
0x5: {  	s13 =	simm.s32 $0x0;
	s3 =	sor.u32 s1, s3;
	(pc) =	sbr.rel .LBB1_1-.Ltmp0, $4  }
0x6: {  	s0 =	rddreg [dreg:$0x2];
	_ =	strace $0x80000047;
	s3 =	sshll.u32 s3, $0x3  }
0x7: {  	s10 =	simm.s32 $0x0;
	[sflag:s4] =	ssyncpa.u1 $0x0;
	s7 =	ssub.s32 $0x30D0, s3  }
0x8: {  	s12 =	simm.s32 $0x0;
	[sflag:s6] =	ssyncpa.u1 $0x0;
	s6 =	sshrl.u32 s7, $0x8  }
0x9: {  	s5 =	sadd.s32 $0xC00, s5;
	s11 =	smov.u32 s3;
	s7 =	sadd.s32 $0x2, s6  }
.LBB1_9:
0xa: {  	s15 =	sshll.u32 s12, $0xE  }
0xb: {  	s16 =	sshll.u32 s10, $0x8;
	s15 =	sand.u32 $0x4000, s15  }
0xc: {  	s16 =	sadd.s32 s5, s16;
	s15 =	sor.u32 $0x8000, s15  }
0xd: {  	[hbm4b:s16+s8] =	stream.linear.scatter [tilespmem:s15], [sflag:$0x2], s14, $0x38;
	[tilespmem:$0x10000] =	vst v63  }
.LBB1_10:
0xe: {  	p0 =	slt.u32 s12, $0x2  }
0xf: {  	p1 =	sgt.s32 @!p0 s13, $0x30CC  }
0x10: {  	s14 =	smov.u32 s13;
	s15 =	sshra.s32 @!p0 s13, $0x1F;
	p1 =	por !p1, p0  }
0x11: {  	s13 =	sand.u32 @!p0 s15, s13;
	s14 =	simm.s32 @p1 $0x30CC  }
0x12: {  	s13 =	ssub.s32 @!p0 s14, s13  }
0x13: {  	s13 =	sadd.s32 @!p0 $0xFFFFCF34, s13  }
0x14: {  	s14 =	sshll.u32 @!p0 s13, $0xD  }
0x15: {  	p1 =	sgt.s32 @!p0 s13, $0x7;
	s13 =	ssub.s32 @!p0 $0x10000, s14  }
0x16: {  	s15 =	sadd.s32 $0x100, s11;
	p1 =	por !p1, p0;
	s13 =	sshrl.u32 @!p0 s13, $0x2  }
0x17: {  	s13 =	simm.s32 @!p1 $0x0;
	p1 =	sgt.s32 s15, $0x30D3  }
0x18: {  	s15 =	smov.u32 @p1 s3;
	p1 =	sne.s32 s12, s7  }
.Ltmp1:
0x19: {  	_ = 	snop;
	(pc) =	sbr.rel @!p1 .LBB1_11-.Ltmp1, $4  }
0x1a: {  	s14 =	simm.s32 @!p0 $0x2  }
0x1b: {  	s9 =	sadd.s32 $0x4000, s9;
	_ =	swait.ge @!p0 [sflag:s14], s13;
	s16 =	ssub.s32 @!p0 $0x0, s13  }
0x1c: {  	s13 =	smov.u32 s10;
	s12 =	sadd.s32 $0x1, s12;
	[sflag:s14] =	ssyncset.done @!p0 $0x0  }
0x1d: {  	s10 =	smov.u32 s11;
	s11 =	smov.u32 s15;
	[sflag:s14] =	ssyncadd.s32 @!p0 s16  }
.LBB1_1:
0x1e: {  	p0 =	sgt.u32 s12, s6  }
0x1f: {  	p1 =	sgt.s32 @!p0 s11, $0x30CC  }
0x20: {  	s14 =	smov.u32 s11;
	s15 =	sshra.s32 @!p0 s11, $0x1F;
	p1 =	por !p1, p0  }
0x21: {  	s15 =	sand.u32 @!p0 s15, s11;
	s14 =	simm.s32 @p1 $0x30CC  }
0x22: {  	s14 =	ssub.s32 @!p0 s14, s15  }
0x23: {  	s14 =	sadd.s32 @!p0 $0xFFFFCF34, s14  }
0x24: {  	s17 =	simm.s32 @!p0 $0x0;
	s15 =	sxor.u32 @!p0 $0xFFFFFFFF, s12;
	s16 =	sshll.u32 @!p0 s14, $0xD  }
0x25: {  	s15 =	sshll.u32 @!p0 s15, $0xE;
	p1 =	sgt.s32 @!p0 s14, $0x7;
	s14 =	ssub.s32 @!p0 $0x10000, s16  }
0x26: {  	p1 =	por !p1, p0;
	s16 =	sshll.u32 @!p0 s11, $0x8;
	s14 =	sshrl.u32 @!p0 s14, $0x2  }
0x27: {  	s15 =	sand.u32 @!p0 $0x4000, s15;
	s16 =	sadd.s32 @!p0 s2, s16;
	s14 =	simm.s32 @!p1 $0x0  }
0x28: {  	[tilespmem:s15], [sflag:$0x1] =	stream.linear.gather @!p0 [hbm4b:s16+s17], s14, $0x38;
	[tilespmem:$0x10000] =	vst v63  }
0x29: {  	p0 =	seq.s32 s12, $0x0  }
0x2a: {  	p1 =	sge.u32 @!p0 s12, s7  }
0x2b: {  	p0 =	por p0, p1  }
.Ltmp2:
0x2c: {  	_ = 	snop;
	(pc) =	sbr.rel @p0 .LBB1_10-.Ltmp2, $1  }
0x2d: {  	_ =	sdelay $0x3  }
0x2e: {  	p0 =	sgt.s32 s10, $0x30CC;
	s14 =	smov.u32 s10;
	s15 =	sshra.s32 s10, $0x1F  }
0x2f: {  	s14 =	simm.s32 @!p0 $0x30CC;
	s15 =	sand.u32 s15, s10  }
0x30: {  	s14 =	ssub.s32 s14, s15  }
0x31: {  	s16 =	sadd.s32 $0x8, s10;
	s14 =	sadd.s32 $0xFFFFCF34, s14  }
0x32: {  	p1 =	slt.s32 s16, $0x30D4;
	s30 =	sshll.u32 s14, $0xD  }
0x33: {  	s16 =	simm.s32 @!p1 $0x30D4;
	s15 =	ssub.s32 $0x10000, s30  }
0x34: {  	p0 =	sgt.s32 s14, $0x7;
	s14 =	sshrl.u32 s15, $0x2;
	s15 =	ssub.s32 s16, s10  }
0x35: {  	s14 =	simm.s32 @p0 $0x0;
	p0 =	slt.s32 s15, $0x1  }
.Ltmp3:
0x36: {  	_ = 	snop;
	(pc) =	sbr.rel @p0 .LBB1_9-.Ltmp3, $4  }
0x37: {  	_ = 	snop  }
0x38: {  	_ =	swait.ge [sflag:s4], s14  }
0x39: {  	s31 =	ssub.s32 $0x0, s14;
	[sflag:s4] =	ssyncset.done $0x0  }
0x3a: {  	[sflag:s4] =	ssyncadd.s32 s31  }
0x3b: {  	s16 =	sshll.u32 s9, $0x2  }
0x3c: {  	s16 =	sand.u32 $0x10000, s16  }
0x3d: {  	s16 =	sshrl.u32 s16, $0x2  }
0x3e: {  	s18 =	simm.s32 $0x0;
	s19 =	simm.s32 $0x0;
	s17 =	sor.u32 $0x8000, s16  }
.LBB1_4:
0x3f: {  	s20 =	sshra.s32 s18, $0x2  }
0x40: {  	v0 =	vmov s20;
	_ =	sdelay $0x3  }
0x41: {  	p1 =	por $0x1, $0x1;
	s20 =	simm.s32 $0x0  }
.LBB1_5:
0x42: {  	_ = 	snop  }
0x43: {  	s21 =	sshll.u32 s20, $0xA  }
0x44: {  	s21 =	sand.u32 $0x3FFFFC00, s21  }
0x45: {  	s21 =	sadd.s32 s21, s16  }
0x46: {  	v5 =	vld.idx.msk [tilespmem:v0+s21+$0x70 ss:$0x1], $0xffff  }
0x47: {  	v6 =	vld.idx.msk [tilespmem:v0+s21+$0x10 ss:$0x1], $0xffff  }
0x48: {  	v7 =	vld.idx.msk [tilespmem:v0+s21+$0x20 ss:$0x1], $0xffff  }
0x49: {  	s31 =	sshll.u32 s20, $0x7;
	v1 =	vld.idx.msk [tilespmem:v0+s21+$0x30 ss:$0x1], $0xffff  }
0x4a: {  	s20 =	sand.u32 $0x3FFFFF80, s31;
	v2 =	vld.idx.msk [tilespmem:v0+s21+$0x40 ss:$0x1], $0xffff  }
0x4b: {  	s20 =	sadd.s32 s20, s17;
	v3 =	vld.idx.msk [tilespmem:v0+s21+$0x50 ss:$0x1], $0xffff  }
0x4c: {  	v4 =	vld.idx.msk [tilespmem:v0+s21+$0x60 ss:$0x1], $0xffff;
	[tilespmem:v0+s20+$0x70 ss:$0x1] =	vst.idx.msk $0xffff, v5  }
0x4d: {  	v5 =	vld.idx.msk [tilespmem:v0+s21+$0x0 ss:$0x1], $0xffff;
	[tilespmem:v0+s20+$0x10 ss:$0x1] =	vst.idx.msk $0xffff, v6;
	s21 =	sadd.s32 $0x80, s21  }
0x4e: {  	p0 =	por p1, p1;
	s22 =	simm.s32 $0x6;
	[tilespmem:v0+s20+$0x20 ss:$0x1] =	vst.idx.msk $0xffff, v7;
	v6 =	vld.idx.msk [tilespmem:v0+s21+$0x70 ss:$0x1], $0xffff  }
.LBB1_6:
0x4f: {  	p1 =	sne.s32 s22, $0x1;
	v7 =	vld.idx.msk [tilespmem:v0+s21+$0x10 ss:$0x1], $0xffff;
	[tilespmem:v0+s20+$0x30 ss:$0x1] =	vst.idx.msk $0xffff, v1  }
0x50: {  	v8 =	vld.idx.msk [tilespmem:v0+s21+$0x20 ss:$0x1], $0xffff;
	[tilespmem:v0+s20+$0x40 ss:$0x1] =	vst.idx.msk $0xffff, v2  }
0x51: {  	v1 =	vld.idx.msk [tilespmem:v0+s21+$0x30 ss:$0x1], $0xffff;
	[tilespmem:v0+s20+$0x50 ss:$0x1] =	vst.idx.msk $0xffff, v3  }
.Ltmp4:
0x52: {  	v2 =	vld.idx.msk [tilespmem:v0+s21+$0x40 ss:$0x1], $0xffff;
	[tilespmem:v0+s20+$0x60 ss:$0x1] =	vst.idx.msk $0xffff, v4;
	(pc) =	sbr.rel @p1 .LBB1_6-.Ltmp4, $4  }
0x53: {  	v3 =	vld.idx.msk [tilespmem:v0+s21+$0x50 ss:$0x1], $0xffff;
	[tilespmem:v0+s20+$0x0 ss:$0x1] =	vst.idx.msk $0xffff, v5;
	s20 =	sadd.s32 $0x100, s20  }
0x54: {  	v4 =	vld.idx.msk [tilespmem:v0+s21+$0x60 ss:$0x1], $0xffff;
	[tilespmem:v0+s20+$0x70 ss:$0x1] =	vst.idx.msk $0xffff, v6  }
0x55: {  	v5 =	vld.idx.msk [tilespmem:v0+s21+$0x0 ss:$0x1], $0xffff;
	[tilespmem:v0+s20+$0x10 ss:$0x1] =	vst.idx.msk $0xffff, v7;
	s21 =	sadd.s32 $0x80, s21  }
0x56: {  	s22 =	sadd.s32 $0xFFFFFFFF, s22;
	v6 =	vld.idx.msk [tilespmem:v0+s21+$0x70 ss:$0x1], $0xffff;
	[tilespmem:v0+s20+$0x20 ss:$0x1] =	vst.idx.msk $0xffff, v8  }
0x57: {  	_ =	sdelay $0x3  }
0x58: {  	[tilespmem:v0+s20+$0x30 ss:$0x1] =	vst.idx.msk $0xffff, v1  }
0x59: {  	v1 =	vld.idx.msk [tilespmem:v0+s21+$0x10 ss:$0x1], $0xffff;
	[tilespmem:v0+s20+$0x40 ss:$0x1] =	vst.idx.msk $0xffff, v2  }
0x5a: {  	v2 =	vld.idx.msk [tilespmem:v0+s21+$0x20 ss:$0x1], $0xffff;
	[tilespmem:v0+s20+$0x50 ss:$0x1] =	vst.idx.msk $0xffff, v3  }
0x5b: {  	v61 =	vld.idx.msk [tilespmem:v0+s21+$0x40 ss:$0x1], $0xffff;
	[tilespmem:v0+s20+$0x60 ss:$0x1] =	vst.idx.msk $0xffff, v4  }
0x5c: {  	s31 =	sadd.s32 $0x100, s20;
	v62 =	vld.idx.msk [tilespmem:v0+s21+$0x50 ss:$0x1], $0xffff;
	[tilespmem:v0+s20+$0x0 ss:$0x1] =	vst.idx.msk $0xffff, v5  }
0x5d: {  	v63 =	vld.idx.msk [tilespmem:v0+s21+$0x60 ss:$0x1], $0xffff;
	[tilespmem:v0+s31+$0x70 ss:$0x1] =	vst.idx.msk $0xffff, v6  }
0x5e: {  	v3 =	vld.idx.msk [tilespmem:v0+s21+$0x30 ss:$0x1], $0xffff;
	[tilespmem:v0+s31+$0x10 ss:$0x1] =	vst.idx.msk $0xffff, v1  }
0x5f: {  	v1 =	vld.idx.msk [tilespmem:v0+s21+$0x0 ss:$0x1], $0xffff;
	[tilespmem:v0+s31+$0x20 ss:$0x1] =	vst.idx.msk $0xffff, v2  }
.Ltmp5:
0x60: {  	[tilespmem:v0+s31+$0x40 ss:$0x1] =	vst.idx.msk $0xffff, v61;
	(pc) =	sbr.rel @p0 .LBB1_5-.Ltmp5, $4  }
0x61: {  	[tilespmem:v0+s31+$0x50 ss:$0x1] =	vst.idx.msk $0xffff, v62  }
0x62: {  	[tilespmem:v0+s31+$0x60 ss:$0x1] =	vst.idx.msk $0xffff, v63  }
0x63: {  	[tilespmem:v0+s31+$0x30 ss:$0x1] =	vst.idx.msk $0xffff, v3  }
0x64: {  	p1 =	por $0x0, $0x0;
	s20 =	simm.s32 $0x1;
	[tilespmem:v0+s31+$0x0 ss:$0x1] =	vst.idx.msk $0xffff, v1  }
0x65: {  	s19 =	sadd.s32 $0x1, s19  }
0x66: {  	p0 =	sne.s32 s19, s15  }
.Ltmp6:
0x67: {  	_ = 	snop;
	(pc) =	sbr.rel @p0 .LBB1_4-.Ltmp6, $4  }
.Ltmp7:
0x68: {  	_ = 	snop;
	(pc) =	sbr.rel @!p0 .LBB1_9-.Ltmp7, $4  }
0x69: {  	_ = 	snop  }
0x6a: {  	_ = 	snop  }
0x6b: {  	s18 =	sadd.s32 $0x2000, s18  }
0x6c: {  	_ = 	snop  }
.LBB1_11:
0x6d: {  	_ =	sfence.sel $0x180000  }
0x6e: {  	s2 =	simm.s32 $0x1;
	[bflag:$0x0] =	sbarrier.arrive $0xFFFF  }
0x6f: {  	s31 =	simm.s32 $0x2;
	[sflag:s2] =	ssyncpa.u1 $0x1  }
0x70: {  	[sflag:s31] =	ssyncpa.u1 $0x1  }
0x71: {  	p0 =	sne.s32 s1, $0x0;
	_ =	strace $0x90000047  }
0x72: {  	s0 =	sadd.s32 @!p0 $0x100000, s0;
	[bflag:$0x2] =	sbarrier.arrive $0xFFFF  }
0x73: {  	[sflag:s0] =	ssyncadd.tile.s32 @!p0 $0x1;
	_ =	shalt  }
.Lfunc_end1:
_tile_overlayer_lowered:
.L_overlay_start_2:
0x74: {  	(tag) =	ssettag $0x2  }
0x75: {  	s0 =	rddreg [dreg:$0x0];
	s2 =	stileid.u32  }
0x76: {  	s1 =	rddreg [dreg:$0x1];
	p0 =	sne.s32 s2, $0x0  }
0x77: {  	s3 =	rddreg [dreg:$0x2];
	[bflag:$0x3] =	sbarrier.arrive $0xFFFF;
	s2 =	simm.s32 @!p0 $0x1C01  }
0x78: {  	[timem:s3], [sflag:s2] =	dma.local @!p0 [hbm:s0], s1  }
0x79: {  	s0 =	simm.s32 @!p0 $0x1  }
0x7a: {  	_ =	swait.ge @!p0 [sflag:s0], s1  }
0x7b: {  	s1 =	ssub.s32 @!p0 $0x0, s1;
	[sflag:s0] =	ssyncset.done @!p0 $0x0  }
0x7c: {  	[sflag:s0] =	ssyncadd.s32 @!p0 s1  }
0x7d: {  	[bflag:$0x3] =	sbarrier.arrive $0xFFFF  }
0x7e: {  	_ =	shalt  }

</sc_bundles>
